<compile_context>
chip_gen: v7x
topology: tpu7x:2x2x1
jax: 0.10.2.dev20260603
libtpu: 0.0.44.dev20260713+nightly
codegen_flags: <defaults>
</compile_context>

<pallas_src>
import functools

import jax
import jax.numpy as jnp
from jax import lax
from jax.experimental import pallas as pl
from jax.experimental.pallas import tpu as pltpu
from jax.experimental.pallas import tpu_sc as plsc

NC = 2
NS = 16
NW = NC * NS
CH = 128
BR = 1024


def _scale_body(x_ref, n_ref, o_ref):
    o_ref[...] = x_ref[...] * n_ref[...]


def _combine_body(hn_ref, acc_ref0, acc_ref1, n_ref, o_ref):
    o_ref[...] = (hn_ref[...] + acc_ref0[0] + acc_ref1[0]) * n_ref[...]


def _sc_aggregate(hn, ei, npad, nch, ne):
    d = hn.shape[1]
    rc = npad // NS
    nz = rc // CH
    mesh = plsc.VectorSubcoreMesh(core_axis_name="c", subcore_axis_name="s")

    @functools.partial(
        pl.kernel,
        out_type=jax.ShapeDtypeStruct((NC, npad, d), jnp.float32),
        mesh=mesh,
        scratch_types=[
            pltpu.VMEM((CH,), jnp.int32),
            pltpu.VMEM((CH,), jnp.int32),
            pltpu.VMEM((CH,), jnp.int32),
            pltpu.VMEM((CH,), jnp.int32),
            pltpu.VMEM((CH, d), jnp.float32),
            pltpu.VMEM((CH, d), jnp.float32),
            pltpu.VMEM_SHARED((npad, d), jnp.float32),
            pltpu.SemaphoreType.DMA,
            pltpu.SemaphoreType.DMA,
            pltpu.SemaphoreType.DMA,
            pltpu.SemaphoreType.DMA,
        ],
    )
    def body(hn_hbm, ei_hbm, out_hbm,
             srcv0, dstv0, srcv1, dstv1, rows0, rows1, acc,
             semi0, semi1, semr0, semr1):
        cid = lax.axis_index("c")
        sid = lax.axis_index("s")
        wid = sid * NC + cid
        limit = lax.max(0, lax.min(nch, ne // CH - wid * nch))
        ebase = wid * (nch * CH)

        zero = jnp.zeros((16,), jnp.float32)
        lanes = d // 16

        def zstore(i, carry):
            rows0[i // lanes, pl.ds((i % lanes) * 16, 16)] = zero
            return carry

        lax.fori_loop(0, CH * lanes, zstore, 0)
        arow = pl.multiple_of(sid * rc, rc)
        for z in range(nz):
            pltpu.sync_copy(rows0, acc.at[pl.ds(arow + z * CH, CH)])
        plsc.subcore_barrier()

        bufs = ((srcv0, dstv0, rows0, semi0, semr0),
                (srcv1, dstv1, rows1, semi1, semr1))

        @pl.when(limit > 0)
        def _():
            pltpu.async_copy(ei_hbm.at[0, pl.ds(ebase, CH)], srcv0, semi0)
            pltpu.async_copy(ei_hbm.at[1, pl.ds(ebase, CH)], dstv0, semi0)

        def chunk(i, carry):
            for b in range(2):
                j = i * 2 + b
                srcv, dstv, rows, semi, semr = bufs[b]
                osrcv, odstv, orows, osemi, osemr = bufs[1 - b]

                @pl.when(j < limit)
                def _():
                    pltpu.make_async_copy(
                        ei_hbm.at[0, pl.ds(ebase + j * CH, CH)],
                        srcv, semi).wait()
                    pltpu.make_async_copy(
                        ei_hbm.at[1, pl.ds(ebase + j * CH, CH)],
                        dstv, semi).wait()
                    pltpu.async_copy(hn_hbm.at[srcv], rows, semr)

                @pl.when((j > 0) & (j <= limit))
                def _():
                    pltpu.make_async_copy(
                        hn_hbm.at[osrcv], orows, osemr).wait()
                    pltpu.sync_copy(orows, acc.at[odstv], add=True)

                @pl.when(j + 1 < limit)
                def _():
                    pltpu.async_copy(
                        ei_hbm.at[0, pl.ds(ebase + (j + 1) * CH, CH)],
                        osrcv, osemi)
                    pltpu.async_copy(
                        ei_hbm.at[1, pl.ds(ebase + (j + 1) * CH, CH)],
                        odstv, osemi)
            return carry

        lax.fori_loop(0, nch // 2, chunk, 0)

        @pl.when(limit == nch)
        def _():
            pltpu.make_async_copy(hn_hbm.at[srcv1], rows1, semr1).wait()
            pltpu.sync_copy(rows1, acc.at[dstv1], add=True)

        plsc.subcore_barrier()

        pltpu.sync_copy(acc.at[pl.ds(arow, rc)],
                        out_hbm.at[cid, pl.ds(arow, rc)])

    return body(hn, ei)


def kernel(h, e, norm, edge_index):
    n, d = h.shape
    ne = edge_index.shape[1]

    npad = -(-n // 2048) * 2048
    nch = -(-ne // (NW * CH))
    if nch % 2:
        nch += 1

    xspec = pl.BlockSpec((BR, d), lambda i: (i, 0))
    nspec = pl.BlockSpec((BR, 1), lambda i: (i, 0))
    grid = (-(-n // BR),)

    hn = pl.pallas_call(
        _scale_body,
        grid=grid,
        in_specs=[xspec, nspec],
        out_specs=xspec,
        out_shape=jax.ShapeDtypeStruct((n, d), jnp.float32),
    )(h, norm)

    acc = _sc_aggregate(hn, edge_index.astype(jnp.int32), npad, nch, ne)

    out = pl.pallas_call(
        _combine_body,
        grid=grid,
        in_specs=[
            xspec,
            pl.BlockSpec((1, BR, d), lambda i: (0, i, 0)),
            pl.BlockSpec((1, BR, d), lambda i: (1, i, 0)),
            nspec,
        ],
        out_specs=xspec,
        out_shape=jax.ShapeDtypeStruct((n, d), jnp.float32),
    )(hn, acc, acc, norm)

    return out, e

# --- scband reference (transcript-rebuilt; emitter-appended) ---
"""Pipeline reference for scband-activation-gated-gcnisotrophic-layer-83476984365537 (READ-ONLY COPY).

The authoritative reference and input builder live on the scoring server;
editing this copy changes nothing except your own understanding.
"""

import jax, jax.numpy as jnp
import numpy as np

N = 10000
E = 320000
D = 128
DE = 16


def setup_inputs(seed: int = 0) -> dict:
    key = jax.random.key(seed)
    k1, k2, k3, k4 = jax.random.split(key, 4)
    h = jax.random.normal(k1, (N, D), dtype=jnp.float32)
    e = jax.random.normal(k2, (E, DE), dtype=jnp.float32)
    norm = jax.random.uniform(k3, (N, 1), dtype=jnp.float32)
    edge_index = jax.random.randint(k4, (2, E), 0, N)
    return {"h": h, "e": e, "norm": norm, "edge_index": edge_index}


def reference(h, e, norm, edge_index):
    # h = h * norm (symmetric degree normalization, pre-aggregation)
    h = h * norm
    # Ah = h; Bh = h (isotropic layer: no learned transform in this module)
    Ah = h
    src = edge_index[0]
    dst = edge_index[1]
    # message: Bh_j = Bh[src]; reduce: h_i = Ah_i + sum_j Bh_j
    Bh_j = jnp.take(h, src, axis=0)
    agg = jax.ops.segment_sum(Bh_j, dst, num_segments=h.shape[0])
    h = Ah + agg
    # h = h * norm (post-aggregation normalization)
    h = h * norm
    # batch_norm=False, activation=None, dropout p=0.0 -> identity
    return (h, e)

if __name__ == "__main__":
    import jax
    _d = setup_inputs()
    print(jax.jit(kernel)(*tuple(_d.values())))

</pallas_src>

<mosaic_0001>
#map = affine_map<(d0, d1) -> (0, 0)>
#map1 = affine_map<(d0, d1) -> (0, 0, 0)>
module attributes {stable_mosaic.version = 14 : i64} {
  func.func @body(%arg0: i32, %arg1: i32, %arg2: memref<10000x128xf32, #tpu.memory_space<hbm>>, %arg3: memref<2x320000xi32, #tpu.memory_space<hbm>>, %arg4: memref<2x10240x128xf32, #tpu.memory_space<hbm>>, %arg5: memref<128xi32, #tpu.memory_space<vmem>>, %arg6: memref<128xi32, #tpu.memory_space<vmem>>, %arg7: memref<128xi32, #tpu.memory_space<vmem>>, %arg8: memref<128xi32, #tpu.memory_space<vmem>>, %arg9: memref<128x128xf32, #tpu.memory_space<vmem>>, %arg10: memref<128x128xf32, #tpu.memory_space<vmem>>, %arg11: memref<10240x128xf32, #tpu.memory_space<vmem_shared>>, %arg12: memref<!tpu.dma_semaphore, #tpu.memory_space<semaphore_mem>>, %arg13: memref<!tpu.dma_semaphore, #tpu.memory_space<semaphore_mem>>, %arg14: memref<!tpu.dma_semaphore, #tpu.memory_space<semaphore_mem>>, %arg15: memref<!tpu.dma_semaphore, #tpu.memory_space<semaphore_mem>>) attributes {dimension_semantics = [#tpu.dimension_semantics<core_parallel>, #tpu.dimension_semantics<subcore_parallel>], iteration_bounds = array<i64: 2, 16>, scalar_prefetch = 0 : i64, scratch_operands = 11 : i64, tpu.core_type = #tpu.core_type<sc_vector_subcore>, window_params = [{transform_indices = #map}, {transform_indices = #map}, {transform_indices = #map1}]} {
    %mul3A = arith.constant 2 : i32
    %mul3A_0 = arith.muli %arg1, %mul3A : i32
    %add3A = arith.addi %mul3A_0, %arg0 : i32
    %mul3A_1 = arith.constant 80 : i32
    %mul3A_2 = arith.muli %add3A, %mul3A_1 : i32
    %sub3A = arith.constant 2500 : i32
    %sub3A_3 = arith.subi %sub3A, %mul3A_2 : i32
    %min3A = arith.constant 80 : i32
    %min3A_4 = arith.minsi %min3A, %sub3A_3 : i32
    %max3A = arith.constant 0 : i32
    %max3A_5 = arith.maxsi %max3A, %min3A_4 : i32
    %mul3A_6 = arith.constant 10240 : i32
    %mul3A_7 = arith.muli %add3A, %mul3A_6 : i32
    %broadcast_in_dim3A = arith.constant 0.000000e+00 : f32
    %broadcast_in_dim3A_8 = vector.broadcast %broadcast_in_dim3A : f32 to vector<16xf32>
    %scan3A = arith.constant 0 : i32
    %scan3A_9 = arith.constant 0 : i32
    %scan3A_10 = arith.constant 1024 : i32
    %scan3A_11 = arith.addi %scan3A_9, %scan3A_10 : i32
    %scan3A_12 = arith.constant 1 : i32
    scf.for %scan3A_39 = %scan3A_9 to %scan3A_11 step %scan3A_12  : i32 {
      %jit3A = arith.constant 8 : i32
      %div3A = arith.divsi %scan3A_39, %jit3A : i32
      %sign3A = arith.constant 0 : i32
      %sign3A_40 = arith.cmpi sgt, %scan3A_39, %sign3A : i32
      %sign3A_41 = arith.extui %sign3A_40 : i1 to i32
      %sign3A_42 = arith.constant 0 : i32
      %sign3A_43 = arith.cmpi slt, %scan3A_39, %sign3A_42 : i32
      %sign3A_44 = arith.extui %sign3A_43 : i1 to i32
      %sign3A_45 = arith.subi %sign3A_41, %sign3A_44 : i32
      %sign3A_46 = arith.constant 0 : i32
      %sign3A_47 = arith.cmpi sgt, %jit3A, %sign3A_46 : i32
      %sign3A_48 = arith.extui %sign3A_47 : i1 to i32
      %sign3A_49 = arith.constant 0 : i32
      %sign3A_50 = arith.cmpi slt, %jit3A, %sign3A_49 : i32
      %sign3A_51 = arith.extui %sign3A_50 : i1 to i32
      %sign3A_52 = arith.subi %sign3A_48, %sign3A_51 : i32
      %ne3A = arith.cmpi ne, %sign3A_45, %sign3A_52 : i32
      %rem3A = arith.remsi %scan3A_39, %jit3A : i32
      %ne3A_53 = arith.constant 0 : i32
      %ne3A_54 = arith.cmpi ne, %rem3A, %ne3A_53 : i32
      %and3A = arith.andi %ne3A, %ne3A_54 : i1
      %sub3A_55 = arith.constant 1 : i32
      %sub3A_56 = arith.subi %div3A, %sub3A_55 : i32
      %select_n3A = arith.select %and3A, %sub3A_56, %div3A : i32
      %jit3A_57 = arith.constant 8 : i32
      %eq3A_58 = arith.constant 0 : i32
      %eq3A_59 = arith.cmpi eq, %jit3A_57, %eq3A_58 : i32
      %jit3A_60 = arith.constant 1 : i32
      %select_n3A_61 = arith.select %eq3A_59, %jit3A_60, %jit3A_57 : i32
      %rem3A_62 = arith.remsi %scan3A_39, %select_n3A_61 : i32
      %ne3A_63 = arith.constant 0 : i32
      %ne3A_64 = arith.cmpi ne, %rem3A_62, %ne3A_63 : i32
      %lt3A = arith.constant 0 : i32
      %lt3A_65 = arith.cmpi slt, %rem3A_62, %lt3A : i32
      %lt3A_66 = arith.constant 0 : i32
      %lt3A_67 = arith.cmpi slt, %select_n3A_61, %lt3A_66 : i32
      %ne3A_68 = arith.xori %lt3A_65, %lt3A_67 : i1
      %and3A_69 = arith.andi %ne3A_68, %ne3A_64 : i1
      %add3A_70 = arith.addi %rem3A_62, %select_n3A_61 : i32
      %select_n3A_71 = arith.select %and3A_69, %add3A_70, %rem3A_62 : i32
      %mul3A_72 = arith.constant 16 : i32
      %mul3A_73 = arith.muli %select_n3A_71, %mul3A_72 : i32
      %swap3A = arith.index_cast %select_n3A : i32 to index
      %swap3A_74 = arith.index_cast %mul3A_73 : i32 to index
      %swap3A_75 = tpu.vector_load %arg9[%swap3A, %swap3A_74] {strides = array<i32>} : memref<128x128xf32, #tpu.memory_space<vmem>>, vector<1x16xf32>,
      %swap3A_76 = vector.shape_cast %swap3A_75 : vector<1x16xf32> to vector<16xf32>
      %swap3A_77 = vector.shape_cast %broadcast_in_dim3A_8 : vector<16xf32> to vector<1x16xf32>
      tpu.vector_store %arg9[%swap3A, %swap3A_74], %swap3A_77 {strides = array<i32>} : memref<128x128xf32, #tpu.memory_space<vmem>>, vector<1x16xf32>,
    }
    %scan3A_13 = arith.constant 1024 : i32
    %mul3A_14 = arith.constant 640 : i32
    %mul3A_15 = arith.muli %arg1, %mul3A_14 : i32
    %multiple_of3A = tpu.assume_multiple %mul3A_15, 640 : i32
    %add3A_16 = arith.constant 0 : i32
    %add3A_17 = arith.addi %multiple_of3A, %add3A_16 : i32
    "tpu.region"() ({
      %run_scoped3A = tpu.sem_alloc : memref<!tpu.dma_semaphore, #tpu.memory_space<semaphore_mem>>
      %dma_start3A = arith.constant 0 : i32
      %dma_start3A_39 = tpu.memref_slice %arg11[%add3A_17, %dma_start3A] : memref<10240x128xf32, #tpu.memory_space<vmem_shared>> -> memref<128x128xf32, #tpu.memory_space<vmem_shared>>
      %dma_start3A_40 = arith.constant 0 : i32
      %dma_start3A_41 = tpu.memref_slice %arg11[%add3A_17, %dma_start3A_40] : memref<10240x128xf32, #tpu.memory_space<vmem_shared>> -> memref<128x128xf32, #tpu.memory_space<vmem_shared>>
      tpu.enqueue_dma source(%arg9 : memref<128x128xf32, #tpu.memory_space<vmem>>) target(%dma_start3A_41 : memref<128x128xf32, #tpu.memory_space<vmem_shared>>) target_semaphore(%run_scoped3A : memref<!tpu.dma_semaphore, #tpu.memory_space<semaphore_mem>>)
      %dma_wait3A = arith.constant 0 : i32
      %dma_wait3A_42 = tpu.memref_slice %arg11[%add3A_17, %dma_wait3A] : memref<10240x128xf32, #tpu.memory_space<vmem_shared>> -> memref<128x128xf32, #tpu.memory_space<vmem_shared>>
      %dma_wait3A_43 = arith.constant 0 : i32
      %dma_wait3A_44 = tpu.memref_slice %arg11[%add3A_17, %dma_wait3A_43] : memref<10240x128xf32, #tpu.memory_space<vmem_shared>> -> memref<128x128xf32, #tpu.memory_space<vmem_shared>>
      tpu.wait_dma2 semaphore(%run_scoped3A : memref<!tpu.dma_semaphore, #tpu.memory_space<semaphore_mem>>) src(%arg9 : memref<128x128xf32, #tpu.memory_space<vmem>>) dst(%dma_wait3A_44 : memref<128x128xf32, #tpu.memory_space<vmem_shared>>)
      tpu.yield
    }) : () -> ()
    %add3A_18 = arith.constant 128 : i32
    %add3A_19 = arith.addi %multiple_of3A, %add3A_18 : i32
    "tpu.region"() ({
      %run_scoped3A = tpu.sem_alloc : memref<!tpu.dma_semaphore, #tpu.memory_space<semaphore_mem>>
      %dma_start3A = arith.constant 0 : i32
      %dma_start3A_39 = tpu.memref_slice %arg11[%add3A_19, %dma_start3A] : memref<10240x128xf32, #tpu.memory_space<vmem_shared>> -> memref<128x128xf32, #tpu.memory_space<vmem_shared>>
      %dma_start3A_40 = arith.constant 0 : i32
      %dma_start3A_41 = tpu.memref_slice %arg11[%add3A_19, %dma_start3A_40] : memref<10240x128xf32, #tpu.memory_space<vmem_shared>> -> memref<128x128xf32, #tpu.memory_space<vmem_shared>>
      tpu.enqueue_dma source(%arg9 : memref<128x128xf32, #tpu.memory_space<vmem>>) target(%dma_start3A_41 : memref<128x128xf32, #tpu.memory_space<vmem_shared>>) target_semaphore(%run_scoped3A : memref<!tpu.dma_semaphore, #tpu.memory_space<semaphore_mem>>)
      %dma_wait3A = arith.constant 0 : i32
      %dma_wait3A_42 = tpu.memref_slice %arg11[%add3A_19, %dma_wait3A] : memref<10240x128xf32, #tpu.memory_space<vmem_shared>> -> memref<128x128xf32, #tpu.memory_space<vmem_shared>>
      %dma_wait3A_43 = arith.constant 0 : i32
      %dma_wait3A_44 = tpu.memref_slice %arg11[%add3A_19, %dma_wait3A_43] : memref<10240x128xf32, #tpu.memory_space<vmem_shared>> -> memref<128x128xf32, #tpu.memory_space<vmem_shared>>
      tpu.wait_dma2 semaphore(%run_scoped3A : memref<!tpu.dma_semaphore, #tpu.memory_space<semaphore_mem>>) src(%arg9 : memref<128x128xf32, #tpu.memory_space<vmem>>) dst(%dma_wait3A_44 : memref<128x128xf32, #tpu.memory_space<vmem_shared>>)
      tpu.yield
    }) : () -> ()
    %add3A_20 = arith.constant 256 : i32
    %add3A_21 = arith.addi %multiple_of3A, %add3A_20 : i32
    "tpu.region"() ({
      %run_scoped3A = tpu.sem_alloc : memref<!tpu.dma_semaphore, #tpu.memory_space<semaphore_mem>>
      %dma_start3A = arith.constant 0 : i32
      %dma_start3A_39 = tpu.memref_slice %arg11[%add3A_21, %dma_start3A] : memref<10240x128xf32, #tpu.memory_space<vmem_shared>> -> memref<128x128xf32, #tpu.memory_space<vmem_shared>>
      %dma_start3A_40 = arith.constant 0 : i32
      %dma_start3A_41 = tpu.memref_slice %arg11[%add3A_21, %dma_start3A_40] : memref<10240x128xf32, #tpu.memory_space<vmem_shared>> -> memref<128x128xf32, #tpu.memory_space<vmem_shared>>
      tpu.enqueue_dma source(%arg9 : memref<128x128xf32, #tpu.memory_space<vmem>>) target(%dma_start3A_41 : memref<128x128xf32, #tpu.memory_space<vmem_shared>>) target_semaphore(%run_scoped3A : memref<!tpu.dma_semaphore, #tpu.memory_space<semaphore_mem>>)
      %dma_wait3A = arith.constant 0 : i32
      %dma_wait3A_42 = tpu.memref_slice %arg11[%add3A_21, %dma_wait3A] : memref<10240x128xf32, #tpu.memory_space<vmem_shared>> -> memref<128x128xf32, #tpu.memory_space<vmem_shared>>
      %dma_wait3A_43 = arith.constant 0 : i32
      %dma_wait3A_44 = tpu.memref_slice %arg11[%add3A_21, %dma_wait3A_43] : memref<10240x128xf32, #tpu.memory_space<vmem_shared>> -> memref<128x128xf32, #tpu.memory_space<vmem_shared>>
      tpu.wait_dma2 semaphore(%run_scoped3A : memref<!tpu.dma_semaphore, #tpu.memory_space<semaphore_mem>>) src(%arg9 : memref<128x128xf32, #tpu.memory_space<vmem>>) dst(%dma_wait3A_44 : memref<128x128xf32, #tpu.memory_space<vmem_shared>>)
      tpu.yield
    }) : () -> ()
    %add3A_22 = arith.constant 384 : i32
    %add3A_23 = arith.addi %multiple_of3A, %add3A_22 : i32
    "tpu.region"() ({
      %run_scoped3A = tpu.sem_alloc : memref<!tpu.dma_semaphore, #tpu.memory_space<semaphore_mem>>
      %dma_start3A = arith.constant 0 : i32
      %dma_start3A_39 = tpu.memref_slice %arg11[%add3A_23, %dma_start3A] : memref<10240x128xf32, #tpu.memory_space<vmem_shared>> -> memref<128x128xf32, #tpu.memory_space<vmem_shared>>
      %dma_start3A_40 = arith.constant 0 : i32
      %dma_start3A_41 = tpu.memref_slice %arg11[%add3A_23, %dma_start3A_40] : memref<10240x128xf32, #tpu.memory_space<vmem_shared>> -> memref<128x128xf32, #tpu.memory_space<vmem_shared>>
      tpu.enqueue_dma source(%arg9 : memref<128x128xf32, #tpu.memory_space<vmem>>) target(%dma_start3A_41 : memref<128x128xf32, #tpu.memory_space<vmem_shared>>) target_semaphore(%run_scoped3A : memref<!tpu.dma_semaphore, #tpu.memory_space<semaphore_mem>>)
      %dma_wait3A = arith.constant 0 : i32
      %dma_wait3A_42 = tpu.memref_slice %arg11[%add3A_23, %dma_wait3A] : memref<10240x128xf32, #tpu.memory_space<vmem_shared>> -> memref<128x128xf32, #tpu.memory_space<vmem_shared>>
      %dma_wait3A_43 = arith.constant 0 : i32
      %dma_wait3A_44 = tpu.memref_slice %arg11[%add3A_23, %dma_wait3A_43] : memref<10240x128xf32, #tpu.memory_space<vmem_shared>> -> memref<128x128xf32, #tpu.memory_space<vmem_shared>>
      tpu.wait_dma2 semaphore(%run_scoped3A : memref<!tpu.dma_semaphore, #tpu.memory_space<semaphore_mem>>) src(%arg9 : memref<128x128xf32, #tpu.memory_space<vmem>>) dst(%dma_wait3A_44 : memref<128x128xf32, #tpu.memory_space<vmem_shared>>)
      tpu.yield
    }) : () -> ()
    %add3A_24 = arith.constant 512 : i32
    %add3A_25 = arith.addi %multiple_of3A, %add3A_24 : i32
    "tpu.region"() ({
      %run_scoped3A = tpu.sem_alloc : memref<!tpu.dma_semaphore, #tpu.memory_space<semaphore_mem>>
      %dma_start3A = arith.constant 0 : i32
      %dma_start3A_39 = tpu.memref_slice %arg11[%add3A_25, %dma_start3A] : memref<10240x128xf32, #tpu.memory_space<vmem_shared>> -> memref<128x128xf32, #tpu.memory_space<vmem_shared>>
      %dma_start3A_40 = arith.constant 0 : i32
      %dma_start3A_41 = tpu.memref_slice %arg11[%add3A_25, %dma_start3A_40] : memref<10240x128xf32, #tpu.memory_space<vmem_shared>> -> memref<128x128xf32, #tpu.memory_space<vmem_shared>>
      tpu.enqueue_dma source(%arg9 : memref<128x128xf32, #tpu.memory_space<vmem>>) target(%dma_start3A_41 : memref<128x128xf32, #tpu.memory_space<vmem_shared>>) target_semaphore(%run_scoped3A : memref<!tpu.dma_semaphore, #tpu.memory_space<semaphore_mem>>)
      %dma_wait3A = arith.constant 0 : i32
      %dma_wait3A_42 = tpu.memref_slice %arg11[%add3A_25, %dma_wait3A] : memref<10240x128xf32, #tpu.memory_space<vmem_shared>> -> memref<128x128xf32, #tpu.memory_space<vmem_shared>>
      %dma_wait3A_43 = arith.constant 0 : i32
      %dma_wait3A_44 = tpu.memref_slice %arg11[%add3A_25, %dma_wait3A_43] : memref<10240x128xf32, #tpu.memory_space<vmem_shared>> -> memref<128x128xf32, #tpu.memory_space<vmem_shared>>
      tpu.wait_dma2 semaphore(%run_scoped3A : memref<!tpu.dma_semaphore, #tpu.memory_space<semaphore_mem>>) src(%arg9 : memref<128x128xf32, #tpu.memory_space<vmem>>) dst(%dma_wait3A_44 : memref<128x128xf32, #tpu.memory_space<vmem_shared>>)
      tpu.yield
    }) : () -> ()
    %barrier3A = arith.constant 0 : index
    tpu.barrier barrier_id(%barrier3A)
    %gt3A = arith.constant 0 : i32
    %gt3A_26 = arith.cmpi sgt, %max3A_5, %gt3A : i32
    %convert_element_type3A = arith.extui %gt3A_26 : i1 to i32
    %cond3A = arith.constant 0 : i32
    %cond3A_27 = arith.cmpi ne, %convert_element_type3A, %cond3A : i32
    scf.if %cond3A_27 {
      %dma_start3A = arith.constant 0 : i32
      %dma_start3A_39 = tpu.memref_slice %arg3[%dma_start3A, %mul3A_7] : memref<2x320000xi32, #tpu.memory_space<hbm>> -> memref<1x128xi32, #tpu.memory_space<hbm>>
      %dma_start3A_40 = tpu.memref_squeeze %dma_start3A_39 : memref<1x128xi32, #tpu.memory_space<hbm>> -> memref<128xi32, #tpu.memory_space<hbm>>
      %dma_start3A_41 = tpu.memref_slice %arg3[%dma_start3A, %mul3A_7] : memref<2x320000xi32, #tpu.memory_space<hbm>> -> memref<1x128xi32, #tpu.memory_space<hbm>>
      %dma_start3A_42 = tpu.memref_squeeze %dma_start3A_41 : memref<1x128xi32, #tpu.memory_space<hbm>> -> memref<128xi32, #tpu.memory_space<hbm>>
      tpu.enqueue_dma source(%dma_start3A_42 : memref<128xi32, #tpu.memory_space<hbm>>) target(%arg5 : memref<128xi32, #tpu.memory_space<vmem>>) target_semaphore(%arg12 : memref<!tpu.dma_semaphore, #tpu.memory_space<semaphore_mem>>)
      %dma_start3A_43 = arith.constant 1 : i32
      %dma_start3A_44 = tpu.memref_slice %arg3[%dma_start3A_43, %mul3A_7] : memref<2x320000xi32, #tpu.memory_space<hbm>> -> memref<1x128xi32, #tpu.memory_space<hbm>>
      %dma_start3A_45 = tpu.memref_squeeze %dma_start3A_44 : memref<1x128xi32, #tpu.memory_space<hbm>> -> memref<128xi32, #tpu.memory_space<hbm>>
      %dma_start3A_46 = tpu.memref_slice %arg3[%dma_start3A_43, %mul3A_7] : memref<2x320000xi32, #tpu.memory_space<hbm>> -> memref<1x128xi32, #tpu.memory_space<hbm>>
      %dma_start3A_47 = tpu.memref_squeeze %dma_start3A_46 : memref<1x128xi32, #tpu.memory_space<hbm>> -> memref<128xi32, #tpu.memory_space<hbm>>
      tpu.enqueue_dma source(%dma_start3A_47 : memref<128xi32, #tpu.memory_space<hbm>>) target(%arg6 : memref<128xi32, #tpu.memory_space<vmem>>) target_semaphore(%arg12 : memref<!tpu.dma_semaphore, #tpu.memory_space<semaphore_mem>>)
    } else {
    }
    %scan3A_28 = arith.constant 0 : i32
    %scan3A_29 = arith.constant 0 : i32
    %scan3A_30 = arith.constant 40 : i32
    %scan3A_31 = arith.addi %scan3A_29, %scan3A_30 : i32
    %scan3A_32 = arith.constant 1 : i32
    scf.for %scan3A_39 = %scan3A_29 to %scan3A_31 step %scan3A_32  : i32 {
      %mul3A_40 = arith.constant 2 : i32
      %mul3A_41 = arith.muli %scan3A_39, %mul3A_40 : i32
      %add3A_42 = arith.constant 0 : i32
      %add3A_43 = arith.addi %mul3A_41, %add3A_42 : i32
      %lt3A = arith.cmpi slt, %add3A_43, %max3A_5 : i32
      %convert_element_type3A_44 = arith.extui %lt3A : i1 to i32
      %cond3A_45 = arith.constant 0 : i32
      %cond3A_46 = arith.cmpi ne, %convert_element_type3A_44, %cond3A_45 : i32
      scf.if %cond3A_46 {
        %mul3A_79 = arith.constant 128 : i32
        %mul3A_80 = arith.muli %add3A_43, %mul3A_79 : i32
        %add3A_81 = arith.addi %mul3A_7, %mul3A_80 : i32
        %dma_wait3A = arith.constant 0 : i32
        %dma_wait3A_82 = tpu.memref_slice %arg3[%dma_wait3A, %add3A_81] : memref<2x320000xi32, #tpu.memory_space<hbm>> -> memref<1x128xi32, #tpu.memory_space<hbm>>
        %dma_wait3A_83 = tpu.memref_squeeze %dma_wait3A_82 : memref<1x128xi32, #tpu.memory_space<hbm>> -> memref<128xi32, #tpu.memory_space<hbm>>
        %dma_wait3A_84 = tpu.memref_slice %arg3[%dma_wait3A, %add3A_81] : memref<2x320000xi32, #tpu.memory_space<hbm>> -> memref<1x128xi32, #tpu.memory_space<hbm>>
        %dma_wait3A_85 = tpu.memref_squeeze %dma_wait3A_84 : memref<1x128xi32, #tpu.memory_space<hbm>> -> memref<128xi32, #tpu.memory_space<hbm>>
        tpu.wait_dma2 semaphore(%arg12 : memref<!tpu.dma_semaphore, #tpu.memory_space<semaphore_mem>>) src(%dma_wait3A_85 : memref<128xi32, #tpu.memory_space<hbm>>) dst(%arg5 : memref<128xi32, #tpu.memory_space<vmem>>)
        %mul3A_86 = arith.constant 128 : i32
        %mul3A_87 = arith.muli %add3A_43, %mul3A_86 : i32
        %add3A_88 = arith.addi %mul3A_7, %mul3A_87 : i32
        %dma_wait3A_89 = arith.constant 1 : i32
        %dma_wait3A_90 = tpu.memref_slice %arg3[%dma_wait3A_89, %add3A_88] : memref<2x320000xi32, #tpu.memory_space<hbm>> -> memref<1x128xi32, #tpu.memory_space<hbm>>
        %dma_wait3A_91 = tpu.memref_squeeze %dma_wait3A_90 : memref<1x128xi32, #tpu.memory_space<hbm>> -> memref<128xi32, #tpu.memory_space<hbm>>
        %dma_wait3A_92 = tpu.memref_slice %arg3[%dma_wait3A_89, %add3A_88] : memref<2x320000xi32, #tpu.memory_space<hbm>> -> memref<1x128xi32, #tpu.memory_space<hbm>>
        %dma_wait3A_93 = tpu.memref_squeeze %dma_wait3A_92 : memref<1x128xi32, #tpu.memory_space<hbm>> -> memref<128xi32, #tpu.memory_space<hbm>>
        tpu.wait_dma2 semaphore(%arg12 : memref<!tpu.dma_semaphore, #tpu.memory_space<semaphore_mem>>) src(%dma_wait3A_93 : memref<128xi32, #tpu.memory_space<hbm>>) dst(%arg6 : memref<128xi32, #tpu.memory_space<vmem>>)
        %dma_start3A = arith.constant 0 : i32
        %dma_start3A_94 = arith.constant 0 : i32
        %dma_start3A_95 = tpu.memref_slice %arg2[%dma_start3A, %dma_start3A_94] : memref<10000x128xf32, #tpu.memory_space<hbm>> -> memref<10000x128xf32, #tpu.memory_space<hbm>>
        tpu.enqueue_indirect_dma source(%dma_start3A_95 : memref<10000x128xf32, #tpu.memory_space<hbm>>) target(%arg9 : memref<128x128xf32, #tpu.memory_space<vmem>>) offsets(%arg5 : memref<128xi32, #tpu.memory_space<vmem>>) semaphore(%arg14 : memref<!tpu.dma_semaphore, #tpu.memory_space<semaphore_mem>>)
      } else {
      }
      %gt3A_47 = arith.constant 0 : i32
      %gt3A_48 = arith.cmpi sgt, %add3A_43, %gt3A_47 : i32
      %le3A = arith.cmpi sle, %add3A_43, %max3A_5 : i32
      %and3A = arith.andi %gt3A_48, %le3A : i1
      %convert_element_type3A_49 = arith.extui %and3A : i1 to i32
      %cond3A_50 = arith.constant 0 : i32
      %cond3A_51 = arith.cmpi ne, %convert_element_type3A_49, %cond3A_50 : i32
      scf.if %cond3A_51 {
        %dma_wait3A = arith.constant 0 : i32
        %dma_wait3A_79 = arith.constant 0 : i32
        %dma_wait3A_80 = tpu.memref_slice %arg2[%dma_wait3A, %dma_wait3A_79] : memref<10000x128xf32, #tpu.memory_space<hbm>> -> memref<10000x128xf32, #tpu.memory_space<hbm>>
        tpu.wait_indirect_dma semaphore(%arg15 : memref<!tpu.dma_semaphore, #tpu.memory_space<semaphore_mem>>) src(%dma_wait3A_80 : memref<10000x128xf32, #tpu.memory_space<hbm>>) dst(%arg10 : memref<128x128xf32, #tpu.memory_space<vmem>>)
        "tpu.region"() ({
          %run_scoped3A = tpu.sem_alloc : memref<!tpu.dma_semaphore, #tpu.memory_space<semaphore_mem>>
          %dma_start3A = arith.constant 0 : i32
          %dma_start3A_81 = arith.constant 0 : i32
          %dma_start3A_82 = tpu.memref_slice %arg11[%dma_start3A, %dma_start3A_81] : memref<10240x128xf32, #tpu.memory_space<vmem_shared>> -> memref<10240x128xf32, #tpu.memory_space<vmem_shared>>
          tpu.enqueue_indirect_dma source(%arg10 : memref<128x128xf32, #tpu.memory_space<vmem>>) target(%dma_start3A_82 : memref<10240x128xf32, #tpu.memory_space<vmem_shared>>) offsets(%arg8 : memref<128xi32, #tpu.memory_space<vmem>>) semaphore(%run_scoped3A : memref<!tpu.dma_semaphore, #tpu.memory_space<semaphore_mem>>) {add = true}
          %dma_wait3A_83 = arith.constant 0 : i32
          %dma_wait3A_84 = arith.constant 0 : i32
          %dma_wait3A_85 = tpu.memref_slice %arg11[%dma_wait3A_83, %dma_wait3A_84] : memref<10240x128xf32, #tpu.memory_space<vmem_shared>> -> memref<10240x128xf32, #tpu.memory_space<vmem_shared>>
          tpu.wait_indirect_dma semaphore(%run_scoped3A : memref<!tpu.dma_semaphore, #tpu.memory_space<semaphore_mem>>) src(%arg10 : memref<128x128xf32, #tpu.memory_space<vmem>>) dst(%dma_wait3A_85 : memref<10240x128xf32, #tpu.memory_space<vmem_shared>>)
          tpu.yield
        }) : () -> ()
      } else {
      }
      %add3A_52 = arith.constant 1 : i32
      %add3A_53 = arith.addi %add3A_43, %add3A_52 : i32
      %lt3A_54 = arith.cmpi slt, %add3A_53, %max3A_5 : i32
      %convert_element_type3A_55 = arith.extui %lt3A_54 : i1 to i32
      %cond3A_56 = arith.constant 0 : i32
      %cond3A_57 = arith.cmpi ne, %convert_element_type3A_55, %cond3A_56 : i32
      scf.if %cond3A_57 {
        %add3A_79 = arith.constant 1 : i32
        %add3A_80 = arith.addi %add3A_43, %add3A_79 : i32
        %mul3A_81 = arith.constant 128 : i32
        %mul3A_82 = arith.muli %add3A_80, %mul3A_81 : i32
        %add3A_83 = arith.addi %mul3A_7, %mul3A_82 : i32
        %dma_start3A = arith.constant 0 : i32
        %dma_start3A_84 = tpu.memref_slice %arg3[%dma_start3A, %add3A_83] : memref<2x320000xi32, #tpu.memory_space<hbm>> -> memref<1x128xi32, #tpu.memory_space<hbm>>
        %dma_start3A_85 = tpu.memref_squeeze %dma_start3A_84 : memref<1x128xi32, #tpu.memory_space<hbm>> -> memref<128xi32, #tpu.memory_space<hbm>>
        %dma_start3A_86 = tpu.memref_slice %arg3[%dma_start3A, %add3A_83] : memref<2x320000xi32, #tpu.memory_space<hbm>> -> memref<1x128xi32, #tpu.memory_space<hbm>>
        %dma_start3A_87 = tpu.memref_squeeze %dma_start3A_86 : memref<1x128xi32, #tpu.memory_space<hbm>> -> memref<128xi32, #tpu.memory_space<hbm>>
        tpu.enqueue_dma source(%dma_start3A_87 : memref<128xi32, #tpu.memory_space<hbm>>) target(%arg7 : memref<128xi32, #tpu.memory_space<vmem>>) target_semaphore(%arg13 : memref<!tpu.dma_semaphore, #tpu.memory_space<semaphore_mem>>)
        %add3A_88 = arith.constant 1 : i32
        %add3A_89 = arith.addi %add3A_43, %add3A_88 : i32
        %mul3A_90 = arith.constant 128 : i32
        %mul3A_91 = arith.muli %add3A_89, %mul3A_90 : i32
        %add3A_92 = arith.addi %mul3A_7, %mul3A_91 : i32
        %dma_start3A_93 = arith.constant 1 : i32
        %dma_start3A_94 = tpu.memref_slice %arg3[%dma_start3A_93, %add3A_92] : memref<2x320000xi32, #tpu.memory_space<hbm>> -> memref<1x128xi32, #tpu.memory_space<hbm>>
        %dma_start3A_95 = tpu.memref_squeeze %dma_start3A_94 : memref<1x128xi32, #tpu.memory_space<hbm>> -> memref<128xi32, #tpu.memory_space<hbm>>
        %dma_start3A_96 = tpu.memref_slice %arg3[%dma_start3A_93, %add3A_92] : memref<2x320000xi32, #tpu.memory_space<hbm>> -> memref<1x128xi32, #tpu.memory_space<hbm>>
        %dma_start3A_97 = tpu.memref_squeeze %dma_start3A_96 : memref<1x128xi32, #tpu.memory_space<hbm>> -> memref<128xi32, #tpu.memory_space<hbm>>
        tpu.enqueue_dma source(%dma_start3A_97 : memref<128xi32, #tpu.memory_space<hbm>>) target(%arg8 : memref<128xi32, #tpu.memory_space<vmem>>) target_semaphore(%arg13 : memref<!tpu.dma_semaphore, #tpu.memory_space<semaphore_mem>>)
      } else {
      }
      %mul3A_58 = arith.constant 2 : i32
      %mul3A_59 = arith.muli %scan3A_39, %mul3A_58 : i32
      %add3A_60 = arith.constant 1 : i32
      %add3A_61 = arith.addi %mul3A_59, %add3A_60 : i32
      %lt3A_62 = arith.cmpi slt, %add3A_61, %max3A_5 : i32
      %convert_element_type3A_63 = arith.extui %lt3A_62 : i1 to i32
      %cond3A_64 = arith.constant 0 : i32
      %cond3A_65 = arith.cmpi ne, %convert_element_type3A_63, %cond3A_64 : i32
      scf.if %cond3A_65 {
        %mul3A_79 = arith.constant 128 : i32
        %mul3A_80 = arith.muli %add3A_61, %mul3A_79 : i32
        %add3A_81 = arith.addi %mul3A_7, %mul3A_80 : i32
        %dma_wait3A = arith.constant 0 : i32
        %dma_wait3A_82 = tpu.memref_slice %arg3[%dma_wait3A, %add3A_81] : memref<2x320000xi32, #tpu.memory_space<hbm>> -> memref<1x128xi32, #tpu.memory_space<hbm>>
        %dma_wait3A_83 = tpu.memref_squeeze %dma_wait3A_82 : memref<1x128xi32, #tpu.memory_space<hbm>> -> memref<128xi32, #tpu.memory_space<hbm>>
        %dma_wait3A_84 = tpu.memref_slice %arg3[%dma_wait3A, %add3A_81] : memref<2x320000xi32, #tpu.memory_space<hbm>> -> memref<1x128xi32, #tpu.memory_space<hbm>>
        %dma_wait3A_85 = tpu.memref_squeeze %dma_wait3A_84 : memref<1x128xi32, #tpu.memory_space<hbm>> -> memref<128xi32, #tpu.memory_space<hbm>>
        tpu.wait_dma2 semaphore(%arg13 : memref<!tpu.dma_semaphore, #tpu.memory_space<semaphore_mem>>) src(%dma_wait3A_85 : memref<128xi32, #tpu.memory_space<hbm>>) dst(%arg7 : memref<128xi32, #tpu.memory_space<vmem>>)
        %mul3A_86 = arith.constant 128 : i32
        %mul3A_87 = arith.muli %add3A_61, %mul3A_86 : i32
        %add3A_88 = arith.addi %mul3A_7, %mul3A_87 : i32
        %dma_wait3A_89 = arith.constant 1 : i32
        %dma_wait3A_90 = tpu.memref_slice %arg3[%dma_wait3A_89, %add3A_88] : memref<2x320000xi32, #tpu.memory_space<hbm>> -> memref<1x128xi32, #tpu.memory_space<hbm>>
        %dma_wait3A_91 = tpu.memref_squeeze %dma_wait3A_90 : memref<1x128xi32, #tpu.memory_space<hbm>> -> memref<128xi32, #tpu.memory_space<hbm>>
        %dma_wait3A_92 = tpu.memref_slice %arg3[%dma_wait3A_89, %add3A_88] : memref<2x320000xi32, #tpu.memory_space<hbm>> -> memref<1x128xi32, #tpu.memory_space<hbm>>
        %dma_wait3A_93 = tpu.memref_squeeze %dma_wait3A_92 : memref<1x128xi32, #tpu.memory_space<hbm>> -> memref<128xi32, #tpu.memory_space<hbm>>
        tpu.wait_dma2 semaphore(%arg13 : memref<!tpu.dma_semaphore, #tpu.memory_space<semaphore_mem>>) src(%dma_wait3A_93 : memref<128xi32, #tpu.memory_space<hbm>>) dst(%arg8 : memref<128xi32, #tpu.memory_space<vmem>>)
        %dma_start3A = arith.constant 0 : i32
        %dma_start3A_94 = arith.constant 0 : i32
        %dma_start3A_95 = tpu.memref_slice %arg2[%dma_start3A, %dma_start3A_94] : memref<10000x128xf32, #tpu.memory_space<hbm>> -> memref<10000x128xf32, #tpu.memory_space<hbm>>
        tpu.enqueue_indirect_dma source(%dma_start3A_95 : memref<10000x128xf32, #tpu.memory_space<hbm>>) target(%arg10 : memref<128x128xf32, #tpu.memory_space<vmem>>) offsets(%arg7 : memref<128xi32, #tpu.memory_space<vmem>>) semaphore(%arg15 : memref<!tpu.dma_semaphore, #tpu.memory_space<semaphore_mem>>)
      } else {
      }
      %gt3A_66 = arith.constant 0 : i32
      %gt3A_67 = arith.cmpi sgt, %add3A_61, %gt3A_66 : i32
      %le3A_68 = arith.cmpi sle, %add3A_61, %max3A_5 : i32
      %and3A_69 = arith.andi %gt3A_67, %le3A_68 : i1
      %convert_element_type3A_70 = arith.extui %and3A_69 : i1 to i32
      %cond3A_71 = arith.constant 0 : i32
      %cond3A_72 = arith.cmpi ne, %convert_element_type3A_70, %cond3A_71 : i32
      scf.if %cond3A_72 {
        %dma_wait3A = arith.constant 0 : i32
        %dma_wait3A_79 = arith.constant 0 : i32
        %dma_wait3A_80 = tpu.memref_slice %arg2[%dma_wait3A, %dma_wait3A_79] : memref<10000x128xf32, #tpu.memory_space<hbm>> -> memref<10000x128xf32, #tpu.memory_space<hbm>>
        tpu.wait_indirect_dma semaphore(%arg14 : memref<!tpu.dma_semaphore, #tpu.memory_space<semaphore_mem>>) src(%dma_wait3A_80 : memref<10000x128xf32, #tpu.memory_space<hbm>>) dst(%arg9 : memref<128x128xf32, #tpu.memory_space<vmem>>)
        "tpu.region"() ({
          %run_scoped3A = tpu.sem_alloc : memref<!tpu.dma_semaphore, #tpu.memory_space<semaphore_mem>>
          %dma_start3A = arith.constant 0 : i32
          %dma_start3A_81 = arith.constant 0 : i32
          %dma_start3A_82 = tpu.memref_slice %arg11[%dma_start3A, %dma_start3A_81] : memref<10240x128xf32, #tpu.memory_space<vmem_shared>> -> memref<10240x128xf32, #tpu.memory_space<vmem_shared>>
          tpu.enqueue_indirect_dma source(%arg9 : memref<128x128xf32, #tpu.memory_space<vmem>>) target(%dma_start3A_82 : memref<10240x128xf32, #tpu.memory_space<vmem_shared>>) offsets(%arg6 : memref<128xi32, #tpu.memory_space<vmem>>) semaphore(%run_scoped3A : memref<!tpu.dma_semaphore, #tpu.memory_space<semaphore_mem>>) {add = true}
          %dma_wait3A_83 = arith.constant 0 : i32
          %dma_wait3A_84 = arith.constant 0 : i32
          %dma_wait3A_85 = tpu.memref_slice %arg11[%dma_wait3A_83, %dma_wait3A_84] : memref<10240x128xf32, #tpu.memory_space<vmem_shared>> -> memref<10240x128xf32, #tpu.memory_space<vmem_shared>>
          tpu.wait_indirect_dma semaphore(%run_scoped3A : memref<!tpu.dma_semaphore, #tpu.memory_space<semaphore_mem>>) src(%arg9 : memref<128x128xf32, #tpu.memory_space<vmem>>) dst(%dma_wait3A_85 : memref<10240x128xf32, #tpu.memory_space<vmem_shared>>)
          tpu.yield
        }) : () -> ()
      } else {
      }
      %add3A_73 = arith.constant 1 : i32
      %add3A_74 = arith.addi %add3A_61, %add3A_73 : i32
      %lt3A_75 = arith.cmpi slt, %add3A_74, %max3A_5 : i32
      %convert_element_type3A_76 = arith.extui %lt3A_75 : i1 to i32
      %cond3A_77 = arith.constant 0 : i32
      %cond3A_78 = arith.cmpi ne, %convert_element_type3A_76, %cond3A_77 : i32
      scf.if %cond3A_78 {
        %add3A_79 = arith.constant 1 : i32
        %add3A_80 = arith.addi %add3A_61, %add3A_79 : i32
        %mul3A_81 = arith.constant 128 : i32
        %mul3A_82 = arith.muli %add3A_80, %mul3A_81 : i32
        %add3A_83 = arith.addi %mul3A_7, %mul3A_82 : i32
        %dma_start3A = arith.constant 0 : i32
        %dma_start3A_84 = tpu.memref_slice %arg3[%dma_start3A, %add3A_83] : memref<2x320000xi32, #tpu.memory_space<hbm>> -> memref<1x128xi32, #tpu.memory_space<hbm>>
        %dma_start3A_85 = tpu.memref_squeeze %dma_start3A_84 : memref<1x128xi32, #tpu.memory_space<hbm>> -> memref<128xi32, #tpu.memory_space<hbm>>
        %dma_start3A_86 = tpu.memref_slice %arg3[%dma_start3A, %add3A_83] : memref<2x320000xi32, #tpu.memory_space<hbm>> -> memref<1x128xi32, #tpu.memory_space<hbm>>
        %dma_start3A_87 = tpu.memref_squeeze %dma_start3A_86 : memref<1x128xi32, #tpu.memory_space<hbm>> -> memref<128xi32, #tpu.memory_space<hbm>>
        tpu.enqueue_dma source(%dma_start3A_87 : memref<128xi32, #tpu.memory_space<hbm>>) target(%arg5 : memref<128xi32, #tpu.memory_space<vmem>>) target_semaphore(%arg12 : memref<!tpu.dma_semaphore, #tpu.memory_space<semaphore_mem>>)
        %add3A_88 = arith.constant 1 : i32
        %add3A_89 = arith.addi %add3A_61, %add3A_88 : i32
        %mul3A_90 = arith.constant 128 : i32
        %mul3A_91 = arith.muli %add3A_89, %mul3A_90 : i32
        %add3A_92 = arith.addi %mul3A_7, %mul3A_91 : i32
        %dma_start3A_93 = arith.constant 1 : i32
        %dma_start3A_94 = tpu.memref_slice %arg3[%dma_start3A_93, %add3A_92] : memref<2x320000xi32, #tpu.memory_space<hbm>> -> memref<1x128xi32, #tpu.memory_space<hbm>>
        %dma_start3A_95 = tpu.memref_squeeze %dma_start3A_94 : memref<1x128xi32, #tpu.memory_space<hbm>> -> memref<128xi32, #tpu.memory_space<hbm>>
        %dma_start3A_96 = tpu.memref_slice %arg3[%dma_start3A_93, %add3A_92] : memref<2x320000xi32, #tpu.memory_space<hbm>> -> memref<1x128xi32, #tpu.memory_space<hbm>>
        %dma_start3A_97 = tpu.memref_squeeze %dma_start3A_96 : memref<1x128xi32, #tpu.memory_space<hbm>> -> memref<128xi32, #tpu.memory_space<hbm>>
        tpu.enqueue_dma source(%dma_start3A_97 : memref<128xi32, #tpu.memory_space<hbm>>) target(%arg6 : memref<128xi32, #tpu.memory_space<vmem>>) target_semaphore(%arg12 : memref<!tpu.dma_semaphore, #tpu.memory_space<semaphore_mem>>)
      } else {
      }
    }
    %scan3A_33 = arith.constant 40 : i32
    %eq3A = arith.constant 80 : i32
    %eq3A_34 = arith.cmpi eq, %max3A_5, %eq3A : i32
    %convert_element_type3A_35 = arith.extui %eq3A_34 : i1 to i32
    %cond3A_36 = arith.constant 0 : i32
    %cond3A_37 = arith.cmpi ne, %convert_element_type3A_35, %cond3A_36 : i32
    scf.if %cond3A_37 {
      %dma_wait3A = arith.constant 0 : i32
      %dma_wait3A_39 = arith.constant 0 : i32
      %dma_wait3A_40 = tpu.memref_slice %arg2[%dma_wait3A, %dma_wait3A_39] : memref<10000x128xf32, #tpu.memory_space<hbm>> -> memref<10000x128xf32, #tpu.memory_space<hbm>>
      tpu.wait_indirect_dma semaphore(%arg15 : memref<!tpu.dma_semaphore, #tpu.memory_space<semaphore_mem>>) src(%dma_wait3A_40 : memref<10000x128xf32, #tpu.memory_space<hbm>>) dst(%arg10 : memref<128x128xf32, #tpu.memory_space<vmem>>)
      "tpu.region"() ({
        %run_scoped3A = tpu.sem_alloc : memref<!tpu.dma_semaphore, #tpu.memory_space<semaphore_mem>>
        %dma_start3A = arith.constant 0 : i32
        %dma_start3A_41 = arith.constant 0 : i32
        %dma_start3A_42 = tpu.memref_slice %arg11[%dma_start3A, %dma_start3A_41] : memref<10240x128xf32, #tpu.memory_space<vmem_shared>> -> memref<10240x128xf32, #tpu.memory_space<vmem_shared>>
        tpu.enqueue_indirect_dma source(%arg10 : memref<128x128xf32, #tpu.memory_space<vmem>>) target(%dma_start3A_42 : memref<10240x128xf32, #tpu.memory_space<vmem_shared>>) offsets(%arg8 : memref<128xi32, #tpu.memory_space<vmem>>) semaphore(%run_scoped3A : memref<!tpu.dma_semaphore, #tpu.memory_space<semaphore_mem>>) {add = true}
        %dma_wait3A_43 = arith.constant 0 : i32
        %dma_wait3A_44 = arith.constant 0 : i32
        %dma_wait3A_45 = tpu.memref_slice %arg11[%dma_wait3A_43, %dma_wait3A_44] : memref<10240x128xf32, #tpu.memory_space<vmem_shared>> -> memref<10240x128xf32, #tpu.memory_space<vmem_shared>>
        tpu.wait_indirect_dma semaphore(%run_scoped3A : memref<!tpu.dma_semaphore, #tpu.memory_space<semaphore_mem>>) src(%arg10 : memref<128x128xf32, #tpu.memory_space<vmem>>) dst(%dma_wait3A_45 : memref<10240x128xf32, #tpu.memory_space<vmem_shared>>)
        tpu.yield
      }) : () -> ()
    } else {
    }
    %barrier3A_38 = arith.constant 0 : index
    tpu.barrier barrier_id(%barrier3A_38)
    "tpu.region"() ({
      %run_scoped3A = tpu.sem_alloc : memref<!tpu.dma_semaphore, #tpu.memory_space<semaphore_mem>>
      %dma_start3A = arith.constant 0 : i32
      %dma_start3A_39 = tpu.memref_slice %arg4[%arg0, %multiple_of3A, %dma_start3A] : memref<2x10240x128xf32, #tpu.memory_space<hbm>> -> memref<1x640x128xf32, #tpu.memory_space<hbm>>
      %dma_start3A_40 = tpu.memref_squeeze %dma_start3A_39 : memref<1x640x128xf32, #tpu.memory_space<hbm>> -> memref<640x128xf32, #tpu.memory_space<hbm>>
      %dma_start3A_41 = arith.constant 0 : i32
      %dma_start3A_42 = tpu.memref_slice %arg11[%multiple_of3A, %dma_start3A_41] : memref<10240x128xf32, #tpu.memory_space<vmem_shared>> -> memref<640x128xf32, #tpu.memory_space<vmem_shared>>
      tpu.enqueue_dma source(%dma_start3A_42 : memref<640x128xf32, #tpu.memory_space<vmem_shared>>) target(%dma_start3A_40 : memref<640x128xf32, #tpu.memory_space<hbm>>) target_semaphore(%run_scoped3A : memref<!tpu.dma_semaphore, #tpu.memory_space<semaphore_mem>>)
      %dma_wait3A = arith.constant 0 : i32
      %dma_wait3A_43 = tpu.memref_slice %arg4[%arg0, %multiple_of3A, %dma_wait3A] : memref<2x10240x128xf32, #tpu.memory_space<hbm>> -> memref<1x640x128xf32, #tpu.memory_space<hbm>>
      %dma_wait3A_44 = tpu.memref_squeeze %dma_wait3A_43 : memref<1x640x128xf32, #tpu.memory_space<hbm>> -> memref<640x128xf32, #tpu.memory_space<hbm>>
      %dma_wait3A_45 = arith.constant 0 : i32
      %dma_wait3A_46 = tpu.memref_slice %arg11[%multiple_of3A, %dma_wait3A_45] : memref<10240x128xf32, #tpu.memory_space<vmem_shared>> -> memref<640x128xf32, #tpu.memory_space<vmem_shared>>
      tpu.wait_dma2 semaphore(%run_scoped3A : memref<!tpu.dma_semaphore, #tpu.memory_space<semaphore_mem>>) src(%dma_wait3A_46 : memref<640x128xf32, #tpu.memory_space<vmem_shared>>) dst(%dma_wait3A_44 : memref<640x128xf32, #tpu.memory_space<hbm>>)
      tpu.yield
    }) : () -> ()
    return
  }
}

module attributes {stable_mosaic.version = 14 : i64} {
  func.func @_scale_body(%arg0: i32, %arg1: memref<1024x128xf32, #tpu.memory_space<vmem>>, %arg2: memref<1024x1xf32, #tpu.memory_space<vmem>>, %arg3: memref<1024x128xf32, #tpu.memory_space<vmem>>) attributes {dimension_semantics = [#tpu.dimension_semantics<arbitrary>], iteration_bounds = array<i64: 10>, scalar_prefetch = 0 : i64, scratch_operands = 0 : i64, tpu.core_type = #tpu.core_type<tc>, window_params = [{transform_indices = @transform_0, window_bounds = array<i64: 1024, 128>}, {transform_indices = @transform_1, window_bounds = array<i64: 1024, 1>}, {transform_indices = @transform_2, window_bounds = array<i64: 1024, 128>}]} {
    %get3A = arith.constant 0 : index
    %get3A_0 = arith.constant 0 : index
    %get3A_1 = vector.load %arg1[%get3A, %get3A_0] : memref<1024x128xf32, #tpu.memory_space<vmem>>, vector<1024x128xf32>
    %get3A_2 = arith.constant 0 : index
    %get3A_3 = arith.constant 0 : index
    %get3A_4 = vector.load %arg2[%get3A_2, %get3A_3] : memref<1024x1xf32, #tpu.memory_space<vmem>>, vector<1024x1xf32>
    %mul3A = vector.broadcast %get3A_4 : vector<1024x1xf32> to vector<1024x128xf32>
    %mul3A_5 = arith.mulf %get3A_1, %mul3A : vector<1024x128xf32>
    %swap3A = arith.constant 0 : index
    %swap3A_6 = arith.constant 0 : index
    %swap3A_7 = vector.load %arg3[%swap3A, %swap3A_6] : memref<1024x128xf32, #tpu.memory_space<vmem>>, vector<1024x128xf32>
    tpu.vector_store %arg3[%swap3A, %swap3A_6], %mul3A_5 {strides = array<i32>} : memref<1024x128xf32, #tpu.memory_space<vmem>>, vector<1024x128xf32>,
    return
  }
  func.func @transform_0(%arg0: i32) -> (i32, i32) {
    %c0_i32 = arith.constant 0 : i32
    %c0_i32_0 = arith.constant 0 : i32
    return %arg0, %c0_i32 : i32, i32
  }
  func.func @transform_1(%arg0: i32) -> (i32, i32) {
    %c0_i32 = arith.constant 0 : i32
    %c0_i32_0 = arith.constant 0 : i32
    return %arg0, %c0_i32 : i32, i32
  }
  func.func @transform_2(%arg0: i32) -> (i32, i32) {
    %c0_i32 = arith.constant 0 : i32
    %c0_i32_0 = arith.constant 0 : i32
    return %arg0, %c0_i32 : i32, i32
  }
}

module attributes {stable_mosaic.version = 14 : i64} {
  func.func @_combine_body(%arg0: i32, %arg1: memref<1024x128xf32, #tpu.memory_space<vmem>>, %arg2: memref<1x1024x128xf32, #tpu.memory_space<vmem>>, %arg3: memref<1x1024x128xf32, #tpu.memory_space<vmem>>, %arg4: memref<1024x1xf32, #tpu.memory_space<vmem>>, %arg5: memref<1024x128xf32, #tpu.memory_space<vmem>>) attributes {dimension_semantics = [#tpu.dimension_semantics<arbitrary>], iteration_bounds = array<i64: 10>, scalar_prefetch = 0 : i64, scratch_operands = 0 : i64, tpu.core_type = #tpu.core_type<tc>, window_params = [{transform_indices = @transform_0, window_bounds = array<i64: 1024, 128>}, {transform_indices = @transform_1, window_bounds = array<i64: 1, 1024, 128>}, {transform_indices = @transform_2, window_bounds = array<i64: 1, 1024, 128>}, {transform_indices = @transform_3, window_bounds = array<i64: 1024, 1>}, {transform_indices = @transform_4, window_bounds = array<i64: 1024, 128>}]} {
    %get3A = arith.constant 0 : index
    %get3A_0 = arith.constant 0 : index
    %get3A_1 = vector.load %arg1[%get3A, %get3A_0] : memref<1024x128xf32, #tpu.memory_space<vmem>>, vector<1024x128xf32>
    %get3A_2 = arith.constant 0 : index
    %get3A_3 = arith.constant 0 : index
    %get3A_4 = arith.constant 0 : index
    %get3A_5 = vector.load %arg2[%get3A_2, %get3A_3, %get3A_4] : memref<1x1024x128xf32, #tpu.memory_space<vmem>>, vector<1x1024x128xf32>
    %get3A_6 = vector.shape_cast %get3A_5 : vector<1x1024x128xf32> to vector<1024x128xf32>
    %add3A = arith.addf %get3A_1, %get3A_6 : vector<1024x128xf32>
    %get3A_7 = arith.constant 0 : index
    %get3A_8 = arith.constant 0 : index
    %get3A_9 = arith.constant 0 : index
    %get3A_10 = vector.load %arg3[%get3A_7, %get3A_8, %get3A_9] : memref<1x1024x128xf32, #tpu.memory_space<vmem>>, vector<1x1024x128xf32>
    %get3A_11 = vector.shape_cast %get3A_10 : vector<1x1024x128xf32> to vector<1024x128xf32>
    %add3A_12 = arith.addf %add3A, %get3A_11 : vector<1024x128xf32>
    %get3A_13 = arith.constant 0 : index
    %get3A_14 = arith.constant 0 : index
    %get3A_15 = vector.load %arg4[%get3A_13, %get3A_14] : memref<1024x1xf32, #tpu.memory_space<vmem>>, vector<1024x1xf32>
    %mul3A = vector.broadcast %get3A_15 : vector<1024x1xf32> to vector<1024x128xf32>
    %mul3A_16 = arith.mulf %add3A_12, %mul3A : vector<1024x128xf32>
    %swap3A = arith.constant 0 : index
    %swap3A_17 = arith.constant 0 : index
    %swap3A_18 = vector.load %arg5[%swap3A, %swap3A_17] : memref<1024x128xf32, #tpu.memory_space<vmem>>, vector<1024x128xf32>
    tpu.vector_store %arg5[%swap3A, %swap3A_17], %mul3A_16 {strides = array<i32>} : memref<1024x128xf32, #tpu.memory_space<vmem>>, vector<1024x128xf32>,
    return
  }
  func.func @transform_0(%arg0: i32) -> (i32, i32) {
    %c0_i32 = arith.constant 0 : i32
    %c0_i32_0 = arith.constant 0 : i32
    return %arg0, %c0_i32 : i32, i32
  }
  func.func @transform_1(%arg0: i32) -> (i32, i32, i32) {
    %c0_i32 = arith.constant 0 : i32
    %c0_i32_0 = arith.constant 0 : i32
    %c0_i32_1 = arith.constant 0 : i32
    return %c0_i32, %arg0, %c0_i32_0 : i32, i32, i32
  }
  func.func @transform_2(%arg0: i32) -> (i32, i32, i32) {
    %c1_i32 = arith.constant 1 : i32
    %c0_i32 = arith.constant 0 : i32
    %c0_i32_0 = arith.constant 0 : i32
    return %c1_i32, %arg0, %c0_i32 : i32, i32, i32
  }
  func.func @transform_3(%arg0: i32) -> (i32, i32) {
    %c0_i32 = arith.constant 0 : i32
    %c0_i32_0 = arith.constant 0 : i32
    return %arg0, %c0_i32 : i32, i32
  }
  func.func @transform_4(%arg0: i32) -> (i32, i32) {
    %c0_i32 = arith.constant 0 : i32
    %c0_i32_0 = arith.constant 0 : i32
    return %arg0, %c0_i32 : i32, i32
  }
}

</mosaic_0001>

<sc_bundles>
// kernel: kernel.5.cloned.1.call-start
scs
__scs_entry_jumppad:
0x0: {  	(pc) =	sbr.rel $0x88, $3  }
0x1: {  	(tag) =	ssettag $0x0;
	lr =	simm.s32 $0x1  }
0x2: {  	[smem:$0x3F9D] =	sst lr;
	_ =	strace $0xD0000000  }
0x3: {  	_ = 	snop  }
0x4: {  	_ = 	snop  }
0x5: {  	_ = 	snop  }
0x6: {  	_ = 	snop  }
0x7: {  	_ = 	snop  }
__scs_overlays_trampoline_lowered:
0x8: {  	[smem:$0x3FAC] =	sst s0  }
0x9: {  	[smem:$0x3FAD] =	sst s1  }
0xa: {  	[smem:$0x3FAE] =	sst s2  }
0xb: {  	[smem:$0x3FAF] =	sst s3  }
0xc: {  	[smem:$0x3FB0] =	sst s4  }
0xd: {  	[smem:$0x3FB1] =	sst s5  }
0xe: {  	[smem:$0x3FB2] =	sst s6  }
0xf: {  	[smem:$0x3FB3] =	sst s7  }
0x10: {  	[smem:$0x3FB4] =	sst s8  }
0x11: {  	[smem:$0x3FB5] =	sst s9;
	s0 =	simm.s32 @!p0 $0x0  }
0x12: {  	s1 =	sld [smem:$0x3F9B];
	s0 =	simm.s32 @p0 $0x1  }
0x13: {  	[smem:$0x3FB6] =	sst s0;
	s0 =	simm.s32 @!p1 $0x0  }
0x14: {  	s2 =	sld [smem:$0x3F9A];
	s0 =	simm.s32 @p1 $0x1  }
0x15: {  	[smem:$0x3FB7] =	sst s0;
	s0 =	simm.s32 @!p2 $0x0  }
0x16: {  	s3 =	sld [smem:$0x3FDB];
	s0 =	simm.s32 @p2 $0x1  }
0x17: {  	s4 =	simm.s32 $0x1BF5;
	[smem:$0x3FB9] =	sst s0  }
0x18: {  	s0 =	sld [smem:$0x3F9C];
	_ =	swait.ge [sflag:s4], $0x0  }
0x19: {  	s7 =	sld [smem:$0x3F9D]  }
0x1a: {  	s8 =	sadd.s32 $0xFFFFE003, lr  }
0x1b: {  	s9 =	sadd.s32 $0xFFFFFEF7, lr;
	s5 =	simm.s32 $0xFFFFFFFF;
	p2 =	slt.u32 s8, $0xFFFFF086  }
0x1c: {  	p1 =	slt.u32 s9, $0xF7A;
	s5 =	simm.s32 @!p2 $0x0  }
0x1d: {  	s5 =	simm.s32 @p1 $0x1;
	p0 =	seq.s32 s7, s2  }
0x1e: {  	s7 =	smul.u32 @!p0 $0xF7A, s2;
	p2 =	seq.s32 @!p0 s5, $0x0  }
0x1f: {  	s9 =	smul.u32 $0xF7A, s1;
	s8 =	simm.s32 @!p0 $0x1BF5;
	p2 =	por !p2, p0  }
0x20: {  	[sflag:s8] =	ssyncset.s32 @!p0 $0xFFFFF086;
	s6 =	sadd.s32 @!p0 s3, s7;
	s7 =	simm.s32 @!p0 $0x108  }
0x21: {  	s3 =	sadd.s32 s3, s9;
	s6 =	sadd.s32 @!p0 $0x88, s6;
	s7 =	simm.s32 @p2 $0x1082  }
0x22: {  	[simem:s7], [sflag:s8] =	dma.local @!p0 [hbm:s6], $0xF7A  }
0x23: {  	s9 =	sor.u32 $0xD0000000, s2;
	s6 =	simm.s32 $0x108;
	_ =	swait.ge @!p0 [sflag:s8], $0x0  }
0x24: {  	s3 =	sadd.s32 $0x88, s3;
	s6 =	simm.s32 @!p1 $0x1082;
	[sflag:s4] =	ssyncset.s32 $0xFFFFF086  }
0x25: {  	[simem:s6], [sflag:s4] =	dma.local [hbm:s3], $0xF7A  }
0x26: {  	[smem:$0x3F9D] =	sst s1;
	(tag) =	ssettag s2;
	_ =	strace s9  }
0x27: {  	s1 =	sld [smem:$0x3FAD]  }
0x28: {  	s2 =	sld [smem:$0x3FAE]  }
0x29: {  	s4 =	sld [smem:$0x3FB0]  }
0x2a: {  	p0 =	seq.s32 s5, $0x0;
	s5 =	sld [smem:$0x3FB1]  }
0x2b: {  	s6 =	sld [smem:$0x3FB2]  }
0x2c: {  	s7 =	sld [smem:$0x3FB3]  }
0x2d: {  	s3 =	simm.s32 $0x108;
	s8 =	sld [smem:$0x3FB4]  }
0x2e: {  	s3 =	simm.s32 @!p0 $0x1082;
	s9 =	sld [smem:$0x3FB5]  }
0x2f: {  	lr =	sadd.s32 s0, s3;
	s0 =	sld [smem:$0x3FAC]  }
0x30: {  	s3 =	sld [smem:$0x3FAF]  }
0x31: {  	[smem:$0x3FB8] =	sst s10  }
0x32: {  	s10 =	sld [smem:$0x3FB6];
	_ =	sdelay $0x3  }
0x33: {  	p0 =	seq.s32 s10, $0x1;
	s10 =	sld [smem:$0x3FB8];
	_ =	sdelay $0x3  }
0x34: {  	[smem:$0x3FB8] =	sst s10  }
0x35: {  	s10 =	sld [smem:$0x3FB7];
	_ =	sdelay $0x3  }
0x36: {  	p1 =	seq.s32 s10, $0x1;
	s10 =	sld [smem:$0x3FB8];
	_ =	sdelay $0x3  }
0x37: {  	[smem:$0x3FB8] =	sst s10  }
0x38: {  	s10 =	sld [smem:$0x3FB9]  }
0x39: {  	_ = 	snop;
	(pc) =	sbr.ind lr, $3  }
0x3a: {  	_ = 	snop  }
0x3b: {  	_ = 	snop  }
0x3c: {  	p2 =	seq.s32 s10, $0x1;
	s10 =	sld [smem:$0x3FB8]  }
0x3d: {  	_ =	shalt  }
0x3e: {  	_ =	shalt  }
0x3f: {  	_ =	shalt  }
0x40: {  	_ =	shalt  }
0x41: {  	_ =	shalt  }
0x42: {  	_ =	shalt  }
0x43: {  	_ =	shalt  }
0x44: {  	_ =	shalt  }
0x45: {  	_ =	shalt  }
0x46: {  	_ =	shalt  }
0x47: {  	_ =	shalt  }
0x48: {  	_ =	shalt  }
0x49: {  	_ =	shalt  }
0x4a: {  	_ =	shalt  }
0x4b: {  	_ =	shalt  }
0x4c: {  	_ =	shalt  }
0x4d: {  	_ =	shalt  }
0x4e: {  	_ =	shalt  }
0x4f: {  	_ =	shalt  }
0x50: {  	_ =	shalt  }
0x51: {  	_ =	shalt  }
0x52: {  	_ =	shalt  }
0x53: {  	_ =	shalt  }
0x54: {  	_ =	shalt  }
0x55: {  	_ =	shalt  }
0x56: {  	_ =	shalt  }
0x57: {  	_ =	shalt  }
0x58: {  	_ =	shalt  }
0x59: {  	_ =	shalt  }
0x5a: {  	_ =	shalt  }
0x5b: {  	_ =	shalt  }
0x5c: {  	_ =	shalt  }
0x5d: {  	_ =	shalt  }
0x5e: {  	_ =	shalt  }
0x5f: {  	_ =	shalt  }
0x60: {  	_ =	shalt  }
0x61: {  	_ =	shalt  }
0x62: {  	_ =	shalt  }
0x63: {  	_ =	shalt  }
0x64: {  	_ =	shalt  }
0x65: {  	_ =	shalt  }
0x66: {  	_ =	shalt  }
0x67: {  	_ =	shalt  }
0x68: {  	_ =	shalt  }
0x69: {  	_ =	shalt  }
0x6a: {  	_ =	shalt  }
0x6b: {  	_ =	shalt  }
0x6c: {  	_ =	shalt  }
0x6d: {  	_ =	shalt  }
0x6e: {  	_ =	shalt  }
0x6f: {  	_ =	shalt  }
0x70: {  	_ =	shalt  }
0x71: {  	_ =	shalt  }
0x72: {  	_ =	shalt  }
0x73: {  	_ =	shalt  }
0x74: {  	_ =	shalt  }
0x75: {  	_ =	shalt  }
0x76: {  	_ =	shalt  }
0x77: {  	_ =	shalt  }
0x78: {  	_ =	shalt  }
0x79: {  	_ =	shalt  }
0x7a: {  	_ =	shalt  }
0x7b: {  	_ =	shalt  }
0x7c: {  	_ =	shalt  }
0x7d: {  	_ =	shalt  }
0x7e: {  	_ =	shalt  }
0x7f: {  	_ =	shalt  }
0x80: {  	_ =	shalt  }
0x81: {  	_ =	shalt  }
0x82: {  	_ =	shalt  }
0x83: {  	_ =	shalt  }
0x84: {  	_ =	shalt  }
0x85: {  	_ =	shalt  }
0x86: {  	_ =	shalt  }
0x87: {  	_ =	shalt  }
.Lfunc_end0:
.L_simem_size_0:
called_computation_lowered:
.L_overlay_start_0:
0x88: {  	s2 =	sld [smem:$0x3FD9]  }
0x89: {  	s3 =	sld [smem:$0x3FFE];
	_ =	sdelay $0x1  }
0x8a: {  	s1 =	srdreg.scid  }
0x8b: {  	s0 =	sand.u32 $0x1, s1  }
0x8c: {  	s15 =	sshll.u32 s0, $0xA;
	s2 =	sadd.s32 s3, s2  }
0x8d: {  	s2 =	sadd.s32 s2, s15  }
0x8e: {  	[smem:$0x3FC4] =	sst s2  }
0x8f: {  	_ = 	snop  }
0x90: {  	s2 =	sld [smem:$0x3FD0];
	_ =	sdelay $0x2  }
0x91: {  	s4 =	simm.s32 $0xA;
	s5 =	simm.s32 $0x10;
	s16 =	sld [smem:$0x3FC6]  }
0x92: {  	[smem:s5], [sflag:s4] =	dma.local [hbm:s2], $0x1  }
0x93: {  	_ =	swait.eq [sflag:s4], $0x1  }
0x94: {  	[sflag:s4] =	ssyncset.done $0x0  }
0x95: {  	s17 =	sld [smem:$0x10];
	[sflag:s4] =	ssyncadd.s32 $0xFFFFFFFF  }
0x96: {  	s18 =	sld [smem:$0x11];
	(tm) =	ssettm $0x1  }
0x97: {  	s19 =	sld [smem:$0x3FFB];
	_ =	sdelay $0x3  }
0x98: {  	_ =	strace s19  }
0x99: {  	s5 =	sld [smem:$0x3FFC];
	_ =	sdelay $0x3  }
0x9a: {  	_ =	strace s5  }
0x9b: {  	s5 =	sld [smem:$0x3FFD];
	_ =	sdelay $0x3  }
0x9c: {  	_ =	strace s5  }
0x9d: {  	_ =	strace $0x8FFFFFFF  }
0x9e: {  	s20 =	sld [smem:$0x3FDB];
	_ =	sdelay $0x1  }
0x9f: {  	s6 =	simm.s32 $_scs_section_size  }
0xa0: {  	s7 =	simm.s32 $_size__tile_overlayer_lowered;
	s8 =	simm.s32 $_tile_overlayer_lowered  }
0xa1: {  	s23 =	simm.s32 $0x1BFF;
	s22 =	sshll.u32 s8, $0x1;
	s5 =	sadd.s32 s6, s20  }
0xa2: {  	s9 =	simm.s32 $0x0;
	s21 =	sshll.u32 s7, $0x1;
	s7 =	sadd.s32 s22, s5  }
0xa3: {  	[timem:s9], [sflag:s23] =	dma.local [hbm:s7], s21  }
0xa4: {  	_ =	swait.ge [sflag:s23], s21  }
0xa5: {  	s6 =	ssub.s32 $0x0, s21;
	[sflag:s23] =	ssyncset.done $0x0  }
0xa6: {  	[sflag:s23] =	ssyncadd.s32 s6;
	_ =	sdelay $0x1  }
0xa7: {  	s24 =	simm.s32 $0x1B8B  }
0xa8: {  	_ =	swait.ge [sflag:s24], $0x1  }
0xa9: {  	[sflag:s24] =	ssyncset.done $0x0  }
0xaa: {  	s25 =	simm.s32 $0x1B8E;
	[sflag:s24] =	ssyncadd.s32 $0xFFFFFFFF  }
0xab: {  	s26 =	simm.s32 $execute0_lowered;
	[smem:$0x3FD2] =	sst s25  }
0xac: {  	s6 =	sshll.u32 s26, $0x1;
	_ =	strace $0x80000046;
	[dreg:$0x1] =	wrdreg $0xFFFFFFFF  }
0xad: {  	s28 =	simm.s32 $_size_execute0_lowered;
	s5 =	sadd.s32 s5, s6;
	[dreg:$0x0] =	wrdreg $0x0  }
0xae: {  	s6 =	sshll.u32 s28, $0x1;
	[dreg:$0x2] =	wrdreg s5  }
0xaf: {  	[dreg:$0x3] =	wrdreg s6  }
0xb0: {  	[dreg:$0x4] =	wrdreg $0xC0  }
0xb1: {  	_ =	task [dreg:s9], $0x5FFFF  }
0xb2: {  	[dreg:$0x1] =	wrdreg $0xFFFFFFFF  }
0xb3: {  	[dreg:$0x0] =	wrdreg $0x60  }
0xb4: {  	[dreg:$0x2] =	wrdreg s17  }
0xb5: {  	[dreg:$0x3] =	wrdreg s16  }
0xb6: {  	[dreg:$0x4] =	wrdreg s18  }
0xb7: {  	[dreg:$0x5] =	wrdreg $0x82000  }
0xb8: {  	[dreg:$0x6] =	wrdreg $0x9  }
0xb9: {  	_ =	task.clear_ibuf [dreg:s9], $0x7FFFF;
	_ =	strace $0x90000046  }
0xba: {  	s29 =	simm.s32 $0x9;
	_ =	strace $0x80000048  }
0xbb: {  	_ =	swait.ge [sflag:s29], $0x1  }
0xbc: {  	[sflag:s29] =	ssyncadd.s32 $0xFFFFFFFF  }
0xbd: {  	_ =	strace $0x90000048  }
0xbe: {  	_ =	sfence  }
0xbf: {  	s30 =	sld [smem:$0x0];
	_ =	sdelay $0x2  }
0xc0: {  	s31 =	sshll.u32 s1, $0xD;
	s1 =	sshrl.u32 s1, $0x2  }
0xc1: {  	s3 =	sand.u32 $0x4000, s31;
	s1 =	sadd.s32 s1, s30  }
0xc2: {  	s0 =	sor.u32 s3, s0;
	s1 =	sshll.u32 s1, $0x11  }
0xc3: {  	s0 =	sor.u32 s1, s0  }
0xc4: {  	s0 =	sadd.s32 $0x8F2B, s0  }
0xc5: {  	[sflag:s0] =	ssyncadd.remote.s32 $0x1  }
0xc6: {  	_ =	sfence.sel $0xFFFF  }
0xc7: {  	[dreg:$0x0] =	wrdreg $0xFFFFFFFF;
	(pc) =	sbr.abs _section_cstart, $3  }
0xc8: {  	[dreg:$0x1] =	wrdreg $0xFFFFFFFF  }
0xc9: {  	_ =	task.clear_ibuf [dreg:s9], $0x2FFFF;
	_ =	strace $0x9FFFFFFF  }
0xca: {  	(tm) =	ssettm $0x7FFFFFFF  }
0xcb: {  	_ =	shalt  }
tec
execute0_lowered:
.L_overlay_start_1:
0x0: {  	(tag) =	ssettag $0x1  }
0x1: {  	s1 =	rddreg [dreg:$0x0]  }
0x2: {  	s0 =	rddreg [dreg:$0x1]  }
0x3: {  	s2 =	rddreg [dreg:$0x2];
	s4 =	srdreg.scid  }
0x4: {  	s9 =	stileid.u32;
	s3 =	rddreg [dreg:$0x3]  }
0x5: {  	s7 =	simm.s32 $0x0;
	s29 =	simm.s32 $0x3;
	s8 =	smul.u32 $0x50000, s9  }
0x6: {  	s30 =	simm.s32 $0x0;
	s4 =	sand.u32 $0x1, s4;
	s12 =	smul.u32 $0x14000, s9  }
0x7: {  	s5 =	sshll.u32 s9, $0x1;
	[smem:$0x7FF] =	sst s7;
	s11 =	smul.u32 $0x140000, s4  }
0x8: {  	s25 =	sor.u32 s4, s5;
	s19 =	ssub.s32 $0x2, s4;
	s4 =	smul.u32 $0xA00, s4  }
0x9: {  	s18 =	sadd.s32 $0x10, s0;
	_ =	strace $0x80000047;
	s6 =	smul.u32 $0xFFFFFFB0, s25  }
0xa: {  	s20 =	sshrl.u32 s19, $0x1;
	s21 =	sshrl.u32 s8, $0x2;
	s17 =	smul.u32 $0xA00, s25  }
0xb: {  	s14 =	ssub.s32 s19, s20;
	s12 =	sadd.s32 s12, s11;
	s19 =	smul.u32 $0x1400, s9  }
0xc: {  	s20 =	simm.s32 $0x200;
	p0 =	slt.s32 s6, $0xFFFFF68C;
	s26 =	sadd.s32 s0, s17  }
0xd: {  	s13 =	sshrl.u32 s12, $0x3;
	s12 =	sadd.s32 s17, s18;
	s28 =	sor.u32 $0x20, s17  }
0xe: {  	s14 =	smax.u32 s14, $0x1;
	s31 =	sor.u32 $0x40, s17;
	s6 =	simm.s32 @!p0 $0xFFFFF68C  }
0xf: {  	[dreg:$0x9] =	wrdreg s26;
	s13 =	sadd.s32 s2, s13;
	s15 =	sadd.s32 s0, s28  }
0x10: {  	s16 =	sadd.s32 s28, s18;
	s5 =	sadd.s32 $0x9C4, s6;
	s6 =	sadd.s32 s21, s3  }
0x11: {  	s17 =	sadd.s32 s0, s31;
	s18 =	sadd.s32 s31, s18;
	s7 =	sadd.s32 $0x4000, s6  }
0x12: {  	s0 =	sadd.s32 s19, s0;
	s22 =	sadd.s32 $0x8000, s6;
	[dreg:$0x5] =	wrdreg s7  }
0x13: {  	p0 =	seq.s32 s25, $0x1F;
	s23 =	sadd.s32 $0xC000, s6;
	[dreg:$0x6] =	wrdreg s22  }
0x14: {  	s26 =	simm.s32 $0x2;
	s24 =	sadd.s32 $0x10000, s6;
	[dreg:$0x7] =	wrdreg s23  }
0x15: {  	s19 =	sadd.s32 s4, s0;
	s21 =	simm.s32 $0x5;
	[dreg:$0x8] =	wrdreg s24  }
0x16: {  	v0 =	vimm.f32 $0.0e+00;
	s22 =	simm.s32 $0x80;
	s23 =	simm.s32 $0x1;
	s24 =	simm.s32 $0x100  }
.LBB2_1:
0x17: {  	s2 =	simm.s32 $0x0  }
0x18: {  	s0 =	sand.u32 $0xFE00, s2  }
0x19: {  	s2 =	sand.u32 $0x70, s2;
	s4 =	sshrl.u32 s0, $0x2  }
0x1a: {  	s0 =	simm.s32 $0x40;
	s4 =	sor.u32 s2, s4;
	s2 =	simm.s32 $0x0  }
.LBB2_2:
0x1b: {  	p1 =	sne.s32 s0, $0xFFC0  }
0x1c: {  	[tilespmem:s4+$0x200] =	vst v0;
	s2 =	sadd.s32 $0x10, s2;
	s4 =	smov.u32 s0;
	s0 =	sadd.s32 $0x40, s0  }
.Ltmp0:
0x1d: {  	(pc) =	sbr.rel @p1 .LBB2_2-.Ltmp0, $4  }
0x1e: {  	_ = 	snop  }
0x1f: {  	s4 =	sand.u32 $0xFE00, s4  }
0x20: {  	s25 =	sand.u32 $0x70, s2;
	s4 =	sshrl.u32 s4, $0x2  }
0x21: {  	s4 =	sor.u32 s25, s4  }
0x22: {  	[tilespmem:s4+$0x200] =	vst v0  }
0x23: {  	[spmem:s6] =	stream.linear.scatter [tilespmem:s20], [sflag:$0x5], $0x4000, $0x38;
	[tilespmem:$0x1C200] =	vst v63  }
0x24: {  	_ =	swait.ge [sflag:s21], $0x4000  }
0x25: {  	[sflag:s21] =	ssyncset.done $0x0  }
0x26: {  	s0 =	rddreg [dreg:$0x5];
	[sflag:s21] =	ssyncadd.s32 $0xFFFFC000  }
0x27: {  	[spmem:s0] =	stream.linear.scatter [tilespmem:s20], [sflag:$0x5], $0x4000, $0x38;
	[tilespmem:$0x1C200] =	vst v63  }
0x28: {  	_ =	swait.ge [sflag:s21], $0x4000  }
0x29: {  	[sflag:s21] =	ssyncset.done $0x0  }
0x2a: {  	s7 =	rddreg [dreg:$0x6];
	[sflag:s21] =	ssyncadd.s32 $0xFFFFC000  }
0x2b: {  	[spmem:s7] =	stream.linear.scatter [tilespmem:s20], [sflag:$0x5], $0x4000, $0x38;
	[tilespmem:$0x1C200] =	vst v63  }
0x2c: {  	_ =	swait.ge [sflag:s21], $0x4000  }
0x2d: {  	[sflag:s21] =	ssyncset.done $0x0  }
0x2e: {  	s8 =	rddreg [dreg:$0x7];
	[sflag:s21] =	ssyncadd.s32 $0xFFFFC000  }
0x2f: {  	[spmem:s8] =	stream.linear.scatter [tilespmem:s20], [sflag:$0x5], $0x4000, $0x38;
	[tilespmem:$0x1C200] =	vst v63  }
0x30: {  	_ =	swait.ge [sflag:s21], $0x4000  }
0x31: {  	[sflag:s21] =	ssyncset.done $0x0  }
0x32: {  	s9 =	rddreg [dreg:$0x8];
	[sflag:s21] =	ssyncadd.s32 $0xFFFFC000  }
0x33: {  	[spmem:s9] =	stream.linear.scatter [tilespmem:s20], [sflag:$0x5], $0x4000, $0x38;
	[tilespmem:$0x1C200] =	vst v63  }
0x34: {  	_ =	swait.ge [sflag:s21], $0x4000  }
0x35: {  	[sflag:s21] =	ssyncset.done $0x0  }
0x36: {  	[sflag:s21] =	ssyncadd.s32 $0xFFFFC000  }
0x37: {  	[bflag:$0x0] =	sbarrier.arrive $0xFFFF  }
0x38: {  	s10 =	simm.s32 $0x0;
	s2 =	rddreg [dreg:$0x9]  }
0x39: {  	[tilespmem:s10], [sflag:$0x1] =	stream.linear.gather [hbm4b:s2+s10], $0x80, $0x38;
	[tilespmem:$0x1C200] =	vst v63  }
0x3a: {  	_ = 	snop  }
0x3b: {  	[tilespmem:s22], [sflag:$0x1] =	stream.linear.gather [hbm4b:s12+s10], $0x80, $0x38;
	[tilespmem:$0x1C200] =	vst v63  }
0x3c: {  	_ =	swait.ge [sflag:s23], $0x80  }
0x3d: {  	[sflag:s23] =	ssyncset.done $0x0  }
0x3e: {  	[sflag:s23] =	ssyncadd.s32 $0xFFFFFF80  }
0x3f: {  	_ =	swait.ge [sflag:s23], $0x80  }
0x40: {  	[sflag:s23] =	ssyncset.done $0x0  }
0x41: {  	[sflag:s23] =	ssyncadd.s32 $0xFFFFFF80  }
0x42: {  	[tilespmem:s20], [sflag:$0x3] =	stream.indirect.gather [hbm4b:s1+s22], $0x80, s10, s22, $0xb8;
	[tilespmem:$0x1C200] =	vst v63  }
0x43: {  	_ = 	snop  }
0x44: {  	[tilespmem:s24], [sflag:$0x2] =	stream.linear.gather [hbm4b:s15+s10], $0x80, $0x38;
	[tilespmem:$0x1C200] =	vst v63  }
0x45: {  	s11 =	simm.s32 $0x180  }
0x46: {  	[tilespmem:s11], [sflag:$0x2] =	stream.linear.gather [hbm4b:s16+s10], $0x80, $0x38;
	[tilespmem:$0x1C200] =	vst v63  }
0x47: {  	_ =	swait.ge [sflag:s26], $0x80  }
0x48: {  	[sflag:s26] =	ssyncset.done $0x0  }
0x49: {  	[sflag:s26] =	ssyncadd.s32 $0xFFFFFF80  }
0x4a: {  	_ =	swait.ge [sflag:s26], $0x80  }
0x4b: {  	[sflag:s26] =	ssyncset.done $0x0  }
0x4c: {  	s25 =	simm.s32 $0x4200;
	[sflag:s26] =	ssyncadd.s32 $0xFFFFFF80  }
0x4d: {  	[tilespmem:s25], [sflag:$0x4] =	stream.indirect.gather [hbm4b:s1+s22], $0x80, s24, s22, $0xb8;
	[tilespmem:$0x1C200] =	vst v63  }
0x4e: {  	_ =	swait.ge [sflag:s29], $0x4000  }
0x4f: {  	[sflag:s29] =	ssyncset.done $0x0  }
0x50: {  	[sflag:s29] =	ssyncadd.s32 $0xFFFFC000  }
0x51: {  	[spmem:s3] =	stream.indirect.scatter.add.f32 [tilespmem:s20], [sflag:$0x5], $0x80, s22, s22, $0xb8;
	[tilespmem:$0x1C200] =	vst v63  }
0x52: {  	_ =	swait.ge [sflag:s21], $0x4000  }
0x53: {  	[sflag:s21] =	ssyncset.done $0x0  }
0x54: {  	p1 =	sle.u32 s5, $0x2;
	[sflag:s21] =	ssyncadd.s32 $0xFFFFC000  }
0x55: {  	[tilespmem:s10], [sflag:$0x1] =	stream.linear.gather [hbm4b:s17+s10], $0x80, $0x38;
	[tilespmem:$0x1C200] =	vst v63  }
0x56: {  	s0 =	simm.s32 @!p1 $0x1  }
0x57: {  	[tilespmem:s22], [sflag:$0x1] =	stream.linear.gather [hbm4b:s18+s10], $0x80, $0x38;
	[tilespmem:$0x1C200] =	vst v63  }
0x58: {  	_ =	swait.ge @!p1 [sflag:s0], $0x80  }
0x59: {  	[sflag:s0] =	ssyncset.done @!p1 $0x0  }
0x5a: {  	[sflag:s0] =	ssyncadd.s32 @!p1 $0xFFFFFF80  }
0x5b: {  	p3 =	slt.u32 s5, $0x2;
	_ =	swait.ge @!p1 [sflag:s0], $0x80  }
0x5c: {  	s4 =	simm.s32 @!p1 $0x200;
	s2 =	simm.s32 @!p1 $0x0;
	[sflag:s0] =	ssyncset.done @!p1 $0x0  }
0x5d: {  	s25 =	simm.s32 @!p3 $0x4;
	[sflag:s0] =	ssyncadd.s32 @!p1 $0xFFFFFF80;
	s0 =	simm.s32 @!p1 $0x80  }
0x5e: {  	[tilespmem:s4], [sflag:$0x3] =	stream.indirect.gather @!p1 [hbm4b:s1+s0], $0x80, s2, s0, $0xb8;
	[tilespmem:$0x1C200] =	vst v63  }
0x5f: {  	_ =	swait.ge @!p3 [sflag:s25], $0x4000  }
0x60: {  	s28 =	simm.s32 @!p3 $0x5;
	s31 =	simm.s32 @!p3 $0x180;
	[sflag:s25] =	ssyncset.done @!p3 $0x0  }
0x61: {  	s2 =	simm.s32 @!p3 $0x4200;
	[sflag:s25] =	ssyncadd.s32 @!p3 $0xFFFFC000;
	s25 =	simm.s32 @!p3 $0x80  }
0x62: {  	[spmem:s3] =	stream.indirect.scatter.add.f32 @!p3 [tilespmem:s2], [sflag:$0x5], $0x80, s31, s25, $0xb8;
	[tilespmem:$0x1C200] =	vst v63  }
0x63: {  	p2 =	sle.u32 s5, $0x3;
	_ =	swait.ge @!p3 [sflag:s28], $0x4000  }
0x64: {  	s2 =	sadd.s32 @!p2 $0x0, s19;
	s25 =	simm.s32 @!p2 $0x100;
	[sflag:s28] =	ssyncset.done @!p3 $0x0  }
0x65: {  	s31 =	simm.s32 @!p2 $0x0;
	[sflag:s28] =	ssyncadd.s32 @!p3 $0xFFFFC000;
	s28 =	sadd.s32 @!p2 $0x60, s2  }
0x66: {  	[tilespmem:s25], [sflag:$0x2] =	stream.linear.gather @!p2 [hbm4b:s28+s31], $0x80, $0x38;
	[tilespmem:$0x1C200] =	vst v63  }
0x67: {  	s2 =	sadd.s32 @!p2 $0x70, s2;
	s28 =	simm.s32 @!p2 $0x180  }
0x68: {  	[tilespmem:s28], [sflag:$0x2] =	stream.linear.gather @!p2 [hbm4b:s2+s31], $0x80, $0x38;
	[tilespmem:$0x1C200] =	vst v63  }
0x69: {  	s2 =	simm.s32 @!p2 $0x2  }
0x6a: {  	_ =	swait.ge @!p2 [sflag:s2], $0x80  }
0x6b: {  	[sflag:s2] =	ssyncset.done @!p2 $0x0  }
0x6c: {  	[sflag:s2] =	ssyncadd.s32 @!p2 $0xFFFFFF80  }
0x6d: {  	_ =	swait.ge @!p2 [sflag:s2], $0x80  }
0x6e: {  	s28 =	simm.s32 @!p2 $0x4200;
	[sflag:s2] =	ssyncset.done @!p2 $0x0  }
0x6f: {  	s31 =	simm.s32 @!p1 $0x3;
	[sflag:s2] =	ssyncadd.s32 @!p2 $0xFFFFFF80;
	s2 =	simm.s32 @!p2 $0x80  }
0x70: {  	[tilespmem:s28], [sflag:$0x4] =	stream.indirect.gather @!p2 [hbm4b:s1+s2], $0x80, s25, s2, $0xb8;
	[tilespmem:$0x1C200] =	vst v63  }
0x71: {  	_ =	swait.ge @!p1 [sflag:s31], $0x4000  }
0x72: {  	[sflag:s31] =	ssyncset.done @!p1 $0x0  }
0x73: {  	s2 =	simm.s32 @!p1 $0x5;
	[sflag:s31] =	ssyncadd.s32 @!p1 $0xFFFFC000  }
0x74: {  	[spmem:s3] =	stream.indirect.scatter.add.f32 @!p1 [tilespmem:s4], [sflag:$0x5], $0x80, s0, s0, $0xb8;
	[tilespmem:$0x1C200] =	vst v63  }
0x75: {  	p3 =	sle.u32 s5, $0x4;
	_ =	swait.ge @!p1 [sflag:s2], $0x4000  }
0x76: {  	s28 =	simm.s32 @!p3 $0x0;
	s0 =	sadd.s32 @!p3 $0x0, s19;
	[sflag:s2] =	ssyncset.done @!p1 $0x0  }
0x77: {  	s25 =	simm.s32 $0x80;
	[sflag:s2] =	ssyncadd.s32 @!p1 $0xFFFFC000;
	s2 =	sadd.s32 @!p3 $0x80, s0  }
0x78: {  	[tilespmem:s28], [sflag:$0x1] =	stream.linear.gather @!p3 [hbm4b:s2+s28], $0x80, $0x38;
	[tilespmem:$0x1C200] =	vst v63  }
0x79: {  	s31 =	simm.s32 $0x40;
	s4 =	simm.s32 $0x4;
	s2 =	simm.s32 $0x6  }
.LBB2_4:
0x7a: {  	p1 =	sge.u32 s4, s5;
	s7 =	sadd.s32 @!p3 $0x90, s0  }
0x7b: {  	s8 =	simm.s32 @!p3 $0x80;
	s0 =	smov.u32 s31;
	s31 =	smov.u32 s25  }
0x7c: {  	s25 =	sadd.s32 $0x40, s25;
	s9 =	simm.s32 @!p1 $0x1  }
0x7d: {  	[tilespmem:s8], [sflag:$0x1] =	stream.linear.gather @!p3 [hbm4b:s7+s28], $0x80, $0x38;
	[tilespmem:$0x1C200] =	vst v63  }
0x7e: {  	p2 =	sne.s32 s25, $0x9C0;
	_ =	swait.ge @!p1 [sflag:s9], $0x80  }
0x7f: {  	[sflag:s9] =	ssyncset.done @!p1 $0x0  }
0x80: {  	[sflag:s9] =	ssyncadd.s32 @!p1 $0xFFFFFF80  }
0x81: {  	s7 =	simm.s32 @!p1 $0x0;
	_ =	swait.ge @!p1 [sflag:s9], $0x80  }
0x82: {  	p4 =	sgt.u32 s4, s5;
	s28 =	simm.s32 @!p1 $0x200;
	[sflag:s9] =	ssyncset.done @!p1 $0x0  }
0x83: {  	s4 =	simm.s32 @!p1 $0x80;
	s8 =	simm.s32 @!p4 $0x4;
	[sflag:s9] =	ssyncadd.s32 @!p1 $0xFFFFFF80  }
0x84: {  	[tilespmem:s28], [sflag:$0x3] =	stream.indirect.gather @!p1 [hbm4b:s1+s4], $0x80, s7, s4, $0xb8;
	[tilespmem:$0x1C200] =	vst v63  }
0x85: {  	s7 =	sadd.s32 $0xFFFFFFFF, s2;
	_ =	swait.ge @!p4 [sflag:s8], $0x4000  }
0x86: {  	s10 =	simm.s32 @!p4 $0x5;
	s9 =	simm.s32 @!p4 $0x4200;
	[sflag:s8] =	ssyncset.done @!p4 $0x0  }
0x87: {  	s11 =	simm.s32 @!p4 $0x180;
	[sflag:s8] =	ssyncadd.s32 @!p4 $0xFFFFC000;
	s8 =	simm.s32 @!p4 $0x80  }
0x88: {  	[spmem:s3] =	stream.indirect.scatter.add.f32 @!p4 [tilespmem:s9], [sflag:$0x5], $0x80, s11, s8, $0xb8;
	[tilespmem:$0x1C200] =	vst v63  }
0x89: {  	p3 =	sge.u32 s7, s5;
	_ =	swait.ge @!p4 [sflag:s10], $0x4000  }
0x8a: {  	s7 =	sadd.s32 @!p3 s0, s19;
	s8 =	simm.s32 @!p3 $0x100;
	[sflag:s10] =	ssyncset.done @!p4 $0x0  }
0x8b: {  	s9 =	sadd.s32 @!p3 $0x60, s7;
	[sflag:s10] =	ssyncadd.s32 @!p4 $0xFFFFC000;
	s10 =	simm.s32 @!p3 $0x0  }
0x8c: {  	[tilespmem:s8], [sflag:$0x2] =	stream.linear.gather @!p3 [hbm4b:s9+s10], $0x80, $0x38;
	[tilespmem:$0x1C200] =	vst v63  }
0x8d: {  	s7 =	sadd.s32 @!p3 $0x70, s7;
	s11 =	simm.s32 @!p3 $0x2;
	s9 =	simm.s32 @!p3 $0x180  }
0x8e: {  	[tilespmem:s9], [sflag:$0x2] =	stream.linear.gather @!p3 [hbm4b:s7+s10], $0x80, $0x38;
	[tilespmem:$0x1C200] =	vst v63  }
0x8f: {  	_ =	swait.ge @!p3 [sflag:s11], $0x80  }
0x90: {  	[sflag:s11] =	ssyncset.done @!p3 $0x0  }
0x91: {  	[sflag:s11] =	ssyncadd.s32 @!p3 $0xFFFFFF80  }
0x92: {  	_ =	swait.ge @!p3 [sflag:s11], $0x80  }
0x93: {  	s7 =	simm.s32 @!p3 $0x4200;
	[sflag:s11] =	ssyncset.done @!p3 $0x0  }
0x94: {  	s9 =	simm.s32 @!p3 $0x80;
	s10 =	simm.s32 @!p1 $0x3;
	[sflag:s11] =	ssyncadd.s32 @!p3 $0xFFFFFF80  }
0x95: {  	[tilespmem:s7], [sflag:$0x4] =	stream.indirect.gather @!p3 [hbm4b:s1+s9], $0x80, s8, s9, $0xb8;
	[tilespmem:$0x1C200] =	vst v63  }
0x96: {  	_ =	swait.ge @!p1 [sflag:s10], $0x4000  }
0x97: {  	[sflag:s10] =	ssyncset.done @!p1 $0x0  }
0x98: {  	s7 =	simm.s32 @!p1 $0x5;
	[sflag:s10] =	ssyncadd.s32 @!p1 $0xFFFFC000  }
0x99: {  	[spmem:s3] =	stream.indirect.scatter.add.f32 @!p1 [tilespmem:s28], [sflag:$0x5], $0x80, s4, s4, $0xb8;
	[tilespmem:$0x1C200] =	vst v63  }
.Ltmp1:
0x9a: {  	_ = 	snop;
	(pc) =	sbr.rel @p2 .LBB2_4-.Ltmp1, $4  }
0x9b: {  	p3 =	sge.u32 s2, s5;
	s2 =	sadd.s32 $0x2, s2;
	_ =	swait.ge @!p1 [sflag:s7], $0x4000  }
0x9c: {  	s0 =	sadd.s32 @!p3 s0, s19;
	s28 =	simm.s32 @!p3 $0x0;
	[sflag:s7] =	ssyncset.done @!p1 $0x0  }
0x9d: {  	s4 =	sadd.s32 $0xFFFFFFFE, s2;
	[sflag:s7] =	ssyncadd.s32 @!p1 $0xFFFFC000;
	s7 =	sadd.s32 @!p3 $0x80, s0  }
0x9e: {  	[tilespmem:s28], [sflag:$0x1] =	stream.linear.gather @!p3 [hbm4b:s7+s28], $0x80, $0x38;
	[tilespmem:$0x1C200] =	vst v63  }
0x9f: {  	p1 =	sge.u32 s4, s5  }
0xa0: {  	s0 =	sadd.s32 @!p3 $0x90, s0;
	s7 =	simm.s32 @!p3 $0x80;
	s8 =	simm.s32 @!p1 $0x1  }
0xa1: {  	[tilespmem:s7], [sflag:$0x1] =	stream.linear.gather @!p3 [hbm4b:s0+s28], $0x80, $0x38;
	[tilespmem:$0x1C200] =	vst v63  }
0xa2: {  	_ =	swait.ge @!p1 [sflag:s8], $0x80  }
0xa3: {  	[sflag:s8] =	ssyncset.done @!p1 $0x0  }
0xa4: {  	[sflag:s8] =	ssyncadd.s32 @!p1 $0xFFFFFF80  }
0xa5: {  	s0 =	simm.s32 @!p1 $0x0;
	_ =	swait.ge @!p1 [sflag:s8], $0x80  }
0xa6: {  	s7 =	simm.s32 @!p1 $0x200;
	p3 =	sgt.u32 s4, s5;
	[sflag:s8] =	ssyncset.done @!p1 $0x0  }
0xa7: {  	s4 =	simm.s32 @!p1 $0x80;
	[sflag:s8] =	ssyncadd.s32 @!p1 $0xFFFFFF80;
	s8 =	simm.s32 @!p3 $0x4  }
0xa8: {  	[tilespmem:s7], [sflag:$0x3] =	stream.indirect.gather @!p1 [hbm4b:s1+s4], $0x80, s0, s4, $0xb8;
	[tilespmem:$0x1C200] =	vst v63  }
0xa9: {  	s25 =	sadd.s32 $0xFFFFFFFF, s2;
	_ =	swait.ge @!p3 [sflag:s8], $0x4000  }
0xaa: {  	s9 =	simm.s32 @!p3 $0x4200;
	s10 =	simm.s32 @!p3 $0x5;
	[sflag:s8] =	ssyncset.done @!p3 $0x0  }
0xab: {  	s11 =	simm.s32 @!p3 $0x180;
	[sflag:s8] =	ssyncadd.s32 @!p3 $0xFFFFC000;
	s8 =	simm.s32 @!p3 $0x80  }
0xac: {  	[spmem:s3] =	stream.indirect.scatter.add.f32 @!p3 [tilespmem:s9], [sflag:$0x5], $0x80, s11, s8, $0xb8;
	[tilespmem:$0x1C200] =	vst v63  }
0xad: {  	p2 =	sge.u32 s25, s5;
	_ =	swait.ge @!p3 [sflag:s10], $0x4000  }
0xae: {  	s0 =	sadd.s32 @!p2 s31, s19;
	s8 =	simm.s32 @!p2 $0x100;
	[sflag:s10] =	ssyncset.done @!p3 $0x0  }
0xaf: {  	s9 =	sadd.s32 @!p2 $0x60, s0;
	[sflag:s10] =	ssyncadd.s32 @!p3 $0xFFFFC000;
	s10 =	simm.s32 @!p2 $0x0  }
0xb0: {  	[tilespmem:s8], [sflag:$0x2] =	stream.linear.gather @!p2 [hbm4b:s9+s10], $0x80, $0x38;
	[tilespmem:$0x1C200] =	vst v63  }
0xb1: {  	s0 =	sadd.s32 @!p2 $0x70, s0;
	s11 =	simm.s32 @!p2 $0x2;
	s9 =	simm.s32 @!p2 $0x180  }
0xb2: {  	[tilespmem:s9], [sflag:$0x2] =	stream.linear.gather @!p2 [hbm4b:s0+s10], $0x80, $0x38;
	[tilespmem:$0x1C200] =	vst v63  }
0xb3: {  	_ =	swait.ge @!p2 [sflag:s11], $0x80  }
0xb4: {  	[sflag:s11] =	ssyncset.done @!p2 $0x0  }
0xb5: {  	[sflag:s11] =	ssyncadd.s32 @!p2 $0xFFFFFF80  }
0xb6: {  	_ =	swait.ge @!p2 [sflag:s11], $0x80  }
0xb7: {  	s0 =	simm.s32 @!p2 $0x4200;
	[sflag:s11] =	ssyncset.done @!p2 $0x0  }
0xb8: {  	s9 =	simm.s32 @!p2 $0x80;
	s10 =	simm.s32 @!p1 $0x3;
	[sflag:s11] =	ssyncadd.s32 @!p2 $0xFFFFFF80  }
0xb9: {  	[tilespmem:s0], [sflag:$0x4] =	stream.indirect.gather @!p2 [hbm4b:s1+s9], $0x80, s8, s9, $0xb8;
	[tilespmem:$0x1C200] =	vst v63  }
0xba: {  	_ =	swait.ge @!p1 [sflag:s10], $0x4000  }
0xbb: {  	[sflag:s10] =	ssyncset.done @!p1 $0x0  }
0xbc: {  	s0 =	simm.s32 @!p1 $0x5;
	[sflag:s10] =	ssyncadd.s32 @!p1 $0xFFFFC000  }
0xbd: {  	[spmem:s3] =	stream.indirect.scatter.add.f32 @!p1 [tilespmem:s7], [sflag:$0x5], $0x80, s4, s4, $0xb8;
	[tilespmem:$0x1C200] =	vst v63  }
0xbe: {  	p2 =	sge.u32 s2, s5;
	_ =	swait.ge @!p1 [sflag:s0], $0x4000  }
0xbf: {  	s2 =	sadd.s32 @!p2 s31, s19;
	[sflag:s0] =	ssyncset.done @!p1 $0x0  }
0xc0: {  	s4 =	simm.s32 @!p2 $0x0;
	[sflag:s0] =	ssyncadd.s32 @!p1 $0xFFFFC000;
	s0 =	sadd.s32 @!p2 $0x80, s2  }
0xc1: {  	[tilespmem:s4], [sflag:$0x1] =	stream.linear.gather @!p2 [hbm4b:s0+s4], $0x80, $0x38;
	[tilespmem:$0x1C200] =	vst v63  }
0xc2: {  	s0 =	sadd.s32 @!p2 $0x90, s2;
	s2 =	simm.s32 @!p2 $0x80  }
0xc3: {  	[tilespmem:s2], [sflag:$0x1] =	stream.linear.gather @!p2 [hbm4b:s0+s4], $0x80, $0x38;
	[tilespmem:$0x1C200] =	vst v63  }
0xc4: {  	s0 =	simm.s32 @!p0 $0x4  }
0xc5: {  	_ =	swait.ge @!p0 [sflag:s0], $0x4000  }
0xc6: {  	s2 =	simm.s32 @!p0 $0x180;
	[sflag:s0] =	ssyncset.done @!p0 $0x0  }
0xc7: {  	s4 =	simm.s32 @!p0 $0x4200;
	[sflag:s0] =	ssyncadd.s32 @!p0 $0xFFFFC000;
	s0 =	simm.s32 @!p0 $0x80  }
0xc8: {  	[spmem:s3] =	stream.indirect.scatter.add.f32 @!p0 [tilespmem:s4], [sflag:$0x5], $0x80, s2, s0, $0xb8;
	[tilespmem:$0x1C200] =	vst v63  }
0xc9: {  	s0 =	simm.s32 @!p0 $0x5  }
0xca: {  	s30 =	sadd.s32 $0x1, s30;
	_ =	swait.ge @!p0 [sflag:s0], $0x4000  }
0xcb: {  	s28 =	stileid.u32;
	s31 =	sshrl.u32 s6, $0x3;
	[sflag:s0] =	ssyncset.done @!p0 $0x0  }
0xcc: {  	p1 =	sne.s32 s30, s14;
	[sflag:s0] =	ssyncadd.s32 @!p0 $0xFFFFC000;
	s0 =	sshll.u32 s28, $0x6  }
.Ltmp2:
0xcd: {  	[bflag:$0x0] =	sbarrier.arrive $0xFFFF;
	s0 =	sor.u32 $0x1C05, s0;
	(pc) =	sbr.rel @p1 .LBB2_1-.Ltmp2, $4  }
0xce: {  	[hbm:s13], [sflag:s0] =	dma.local [spmem:s31], $0x2800  }
0xcf: {  	_ =	swait.ge [sflag:s21], $0x2800  }
0xd0: {  	[sflag:s21] =	ssyncset.done $0x0  }
0xd1: {  	[sflag:s21] =	ssyncadd.s32 $0xFFFFD800  }
0xd2: {  	_ =	sfence.sel $0x180000  }
0xd3: {  	[bflag:$0x0] =	sbarrier.arrive $0xFFFF  }
0xd4: {  	_ =	strace $0x90000047  }
0xd5: {  	s0 =	stileid.u32;
	[bflag:$0x2] =	sbarrier.arrive $0xFFFF  }
0xd6: {  	p0 =	sne.s32 s0, $0x0;
	s0 =	rddreg [dreg:$0x4]  }
0xd7: {  	s0 =	sadd.s32 @!p0 $0x100000, s0  }
0xd8: {  	[sflag:s0] =	ssyncadd.tile.s32 @!p0 $0x1;
	_ =	shalt  }
.Lfunc_end2:
_tile_overlayer_lowered:
.L_overlay_start_2:
0xd9: {  	(tag) =	ssettag $0x2  }
0xda: {  	s0 =	rddreg [dreg:$0x0];
	s2 =	stileid.u32  }
0xdb: {  	s1 =	rddreg [dreg:$0x1];
	p0 =	sne.s32 s2, $0x0  }
0xdc: {  	s3 =	rddreg [dreg:$0x2];
	[bflag:$0x3] =	sbarrier.arrive $0xFFFF;
	s2 =	simm.s32 @!p0 $0x1C05  }
0xdd: {  	[timem:s3], [sflag:s2] =	dma.local @!p0 [hbm:s0], s1  }
0xde: {  	s0 =	simm.s32 @!p0 $0x5  }
0xdf: {  	_ =	swait.ge @!p0 [sflag:s0], s1  }
0xe0: {  	s1 =	ssub.s32 @!p0 $0x0, s1;
	[sflag:s0] =	ssyncset.done @!p0 $0x0  }
0xe1: {  	[sflag:s0] =	ssyncadd.s32 @!p0 s1  }
0xe2: {  	[bflag:$0x3] =	sbarrier.arrive $0xFFFF  }
0xe3: {  	_ =	shalt  }

</sc_bundles>
